<compile_context>
chip_gen: v7x
topology: tpu7x:2x2x1
jax: 0.10.2.dev20260603
libtpu: 0.0.44.dev20260713+nightly
codegen_flags: <defaults>
</compile_context>

<pallas_src>
import functools

import jax
import jax.numpy as jnp
from jax import lax
from jax.experimental import pallas as pl
from jax.experimental.pallas import tpu as pltpu
from jax.experimental.pallas import tpu_sc as plsc

_F = 26
_CT = 125
_CCH = 25
_NCH = _CT // _CCH
_NSLOT = 4


def _sc_body(x_hbm, z_hbm, out_hbm, xall, posstore, buf, sems):
    wid = lax.axis_index("c") * 16 + lax.axis_index("s")
    lanes = lax.broadcasted_iota(jnp.int32, (16,), 0)
    ones16 = jnp.full((16,), 1.0, jnp.float32)
    zeros16 = jnp.zeros((16,), jnp.float32)

    for slot in range(_NSLOT):
        pltpu.sync_copy(z_hbm, buf.at[slot, pl.ds(0, _CCH)])
    pltpu.sync_copy(x_hbm.at[pl.ds(0, _F), wid], xall)

    def _scatter(slotv, p, val):
        plsc.store_scatter(buf, [slotv, p >> 10, (p >> 7) & 7, p & 127], val)

    def _chunk(k, c):
        f = k // _NCH
        j = k - f * _NCH
        slot = k & (_NSLOT - 1)
        slotv = jnp.full((16,), slot, jnp.int32)
        cc0 = j * _CCH

        @pl.when(k >= _NSLOT)
        def _retire():
            pltpu.make_async_copy(
                buf.at[slot, pl.ds(0, _CCH)],
                out_hbm.at[0, pl.ds(0, _CCH), 0],
                sems.at[slot],
            ).wait()
            for v in range(8):
                p = posstore[slot, pl.ds(v * 16, 16)]
                _scatter(slotv, p, zeros16)

        for v in range(8):
            idx = xall[f, pl.ds(v * 16, 16)]
            cc = idx >> 3
            hit = (cc >= cc0) & (cc < cc0 + _CCH)
            p = ((cc - cc0) << 10) + ((idx & 7) << 7) + v * 16 + lanes
            p = jnp.where(hit, p, _CCH * 1024 + lanes)
            posstore[slot, pl.ds(v * 16, 16)] = p
            _scatter(slotv, p, ones16)

        pltpu.make_async_copy(
            buf.at[slot, pl.ds(0, _CCH)],
            out_hbm.at[f, pl.ds(cc0, _CCH), wid],
            sems.at[slot],
        ).start()
        return c

    lax.fori_loop(0, _F * _NCH, _chunk, 0)

    for slot in range(_NSLOT):
        pltpu.make_async_copy(
            buf.at[slot, pl.ds(0, _CCH)],
            out_hbm.at[0, pl.ds(0, _CCH), 0],
            sems.at[slot],
        ).wait()


def kernel(x):
    x = x.astype(jnp.int32)
    batch, feats = x.shape
    x_t3 = x.T.reshape(feats, 32, 128)
    zeros = jnp.zeros((_CCH, 8, 128), jnp.float32)
    mesh = plsc.VectorSubcoreMesh(core_axis_name="c", subcore_axis_name="s")
    run = functools.partial(
        pl.kernel,
        mesh=mesh,
        out_type=jax.ShapeDtypeStruct((_F, _CT, 32, 8, 128), jnp.float32),
        compiler_params=pltpu.CompilerParams(needs_layout_passes=False),
        scratch_types=[
            pltpu.VMEM((_F, 128), jnp.int32),
            pltpu.VMEM((_NSLOT, 128), jnp.int32),
            pltpu.VMEM((_NSLOT, _CCH + 1, 8, 128), jnp.float32),
            pltpu.SemaphoreType.DMA((_NSLOT,)),
        ],
    )(_sc_body)
    a = run(x_t3, zeros)
    return a.transpose(2, 4, 0, 1, 3).reshape(batch, feats, 1000)

# --- scband reference (transcript-rebuilt; emitter-appended) ---
"""Pipeline reference for scband-one-hot-encoding-90907277787718 (READ-ONLY COPY).

The authoritative reference and input builder live on the scoring server;
editing this copy changes nothing except your own understanding.
"""

import jax, jax.numpy as jnp
import numpy as np

NUM_CLASSES = 1000

def setup_inputs(seed: int = 0) -> dict:
    key = jax.random.key(seed)
    x = jax.random.randint(key, (4096, 26), 0, NUM_CLASSES, dtype=jnp.int64 if jax.config.jax_enable_x64 else jnp.int32)
    return {"x": x}

def reference(x) -> jnp.ndarray:
    # torch.nn.functional.one_hot(x, num_classes).float()
    return jax.nn.one_hot(x, NUM_CLASSES, dtype=jnp.float32)

if __name__ == "__main__":
    import jax
    _d = setup_inputs()
    print(jax.jit(kernel)(*tuple(_d.values())))

</pallas_src>

<mosaic_0001>
#map = affine_map<(d0, d1) -> (0, 0, 0)>
#map1 = affine_map<(d0, d1) -> (0, 0, 0, 0, 0)>
module attributes {stable_mosaic.version = 14 : i64} {
  func.func @_sc_body(%arg0: i32, %arg1: i32, %arg2: memref<26x32x128xi32, #tpu.memory_space<hbm>>, %arg3: memref<25x8x128xf32, #tpu.memory_space<hbm>>, %arg4: memref<26x125x32x8x128xf32, #tpu.memory_space<hbm>>, %arg5: memref<26x128xi32, #tpu.memory_space<vmem>>, %arg6: memref<4x128xi32, #tpu.memory_space<vmem>>, %arg7: memref<4x26x8x128xf32, #tpu.memory_space<vmem>>, %arg8: memref<4x!tpu.dma_semaphore, #tpu.memory_space<semaphore_mem>>) attributes {dimension_semantics = [#tpu.dimension_semantics<core_parallel>, #tpu.dimension_semantics<subcore_parallel>], iteration_bounds = array<i64: 2, 16>, scalar_prefetch = 0 : i64, scratch_operands = 4 : i64, tpu.core_type = #tpu.core_type<sc_vector_subcore>, window_params = [{transform_indices = #map}, {transform_indices = #map}, {transform_indices = #map1}]} {
    %mul3A = arith.constant 16 : i32
    %mul3A_0 = arith.muli %arg0, %mul3A : i32
    %add3A = arith.addi %mul3A_0, %arg1 : i32
    %iota3A = tpu.iota {dimensions = array<i32: 0>} : vector<16xi32>
    %broadcast_in_dim3A = arith.constant 1.000000e+00 : f32
    %broadcast_in_dim3A_1 = vector.broadcast %broadcast_in_dim3A : f32 to vector<16xf32>
    %broadcast_in_dim3A_2 = arith.constant 0.000000e+00 : f32
    %broadcast_in_dim3A_3 = vector.broadcast %broadcast_in_dim3A_2 : f32 to vector<16xf32>
    %run_scoped3A = arith.constant 0 : i32
    "tpu.region"() ({
      %run_scoped3A_115 = tpu.sem_alloc : memref<!tpu.dma_semaphore, #tpu.memory_space<semaphore_mem>>
      %dma_start3A = arith.constant 0 : i32
      %dma_start3A_116 = arith.constant 0 : i32
      %dma_start3A_117 = arith.constant 0 : i32
      %dma_start3A_118 = tpu.memref_slice %arg7[%run_scoped3A, %dma_start3A, %dma_start3A_116, %dma_start3A_117] : memref<4x26x8x128xf32, #tpu.memory_space<vmem>> -> memref<1x25x8x128xf32, #tpu.memory_space<vmem>>
      %dma_start3A_119 = tpu.memref_squeeze %dma_start3A_118 : memref<1x25x8x128xf32, #tpu.memory_space<vmem>> -> memref<25x8x128xf32, #tpu.memory_space<vmem>>
      %dma_start3A_120 = arith.constant 0 : i32
      %dma_start3A_121 = arith.constant 0 : i32
      %dma_start3A_122 = arith.constant 0 : i32
      %dma_start3A_123 = tpu.memref_slice %arg7[%run_scoped3A, %dma_start3A_120, %dma_start3A_121, %dma_start3A_122] : memref<4x26x8x128xf32, #tpu.memory_space<vmem>> -> memref<1x25x8x128xf32, #tpu.memory_space<vmem>>
      %dma_start3A_124 = tpu.memref_squeeze %dma_start3A_123 : memref<1x25x8x128xf32, #tpu.memory_space<vmem>> -> memref<25x8x128xf32, #tpu.memory_space<vmem>>
      tpu.enqueue_dma source(%arg3 : memref<25x8x128xf32, #tpu.memory_space<hbm>>) target(%dma_start3A_124 : memref<25x8x128xf32, #tpu.memory_space<vmem>>) target_semaphore(%run_scoped3A_115 : memref<!tpu.dma_semaphore, #tpu.memory_space<semaphore_mem>>)
      %dma_wait3A_125 = arith.constant 0 : i32
      %dma_wait3A_126 = arith.constant 0 : i32
      %dma_wait3A_127 = arith.constant 0 : i32
      %dma_wait3A_128 = tpu.memref_slice %arg7[%run_scoped3A, %dma_wait3A_125, %dma_wait3A_126, %dma_wait3A_127] : memref<4x26x8x128xf32, #tpu.memory_space<vmem>> -> memref<1x25x8x128xf32, #tpu.memory_space<vmem>>
      %dma_wait3A_129 = tpu.memref_squeeze %dma_wait3A_128 : memref<1x25x8x128xf32, #tpu.memory_space<vmem>> -> memref<25x8x128xf32, #tpu.memory_space<vmem>>
      %dma_wait3A_130 = arith.constant 0 : i32
      %dma_wait3A_131 = arith.constant 0 : i32
      %dma_wait3A_132 = arith.constant 0 : i32
      %dma_wait3A_133 = tpu.memref_slice %arg7[%run_scoped3A, %dma_wait3A_130, %dma_wait3A_131, %dma_wait3A_132] : memref<4x26x8x128xf32, #tpu.memory_space<vmem>> -> memref<1x25x8x128xf32, #tpu.memory_space<vmem>>
      %dma_wait3A_134 = tpu.memref_squeeze %dma_wait3A_133 : memref<1x25x8x128xf32, #tpu.memory_space<vmem>> -> memref<25x8x128xf32, #tpu.memory_space<vmem>>
      tpu.wait_dma2 semaphore(%run_scoped3A_115 : memref<!tpu.dma_semaphore, #tpu.memory_space<semaphore_mem>>) src(%arg3 : memref<25x8x128xf32, #tpu.memory_space<hbm>>) dst(%dma_wait3A_134 : memref<25x8x128xf32, #tpu.memory_space<vmem>>)
      tpu.yield
    }) : () -> ()
    %run_scoped3A_4 = arith.constant 1 : i32
    "tpu.region"() ({
      %run_scoped3A_115 = tpu.sem_alloc : memref<!tpu.dma_semaphore, #tpu.memory_space<semaphore_mem>>
      %dma_start3A = arith.constant 0 : i32
      %dma_start3A_116 = arith.constant 0 : i32
      %dma_start3A_117 = arith.constant 0 : i32
      %dma_start3A_118 = tpu.memref_slice %arg7[%run_scoped3A_4, %dma_start3A, %dma_start3A_116, %dma_start3A_117] : memref<4x26x8x128xf32, #tpu.memory_space<vmem>> -> memref<1x25x8x128xf32, #tpu.memory_space<vmem>>
      %dma_start3A_119 = tpu.memref_squeeze %dma_start3A_118 : memref<1x25x8x128xf32, #tpu.memory_space<vmem>> -> memref<25x8x128xf32, #tpu.memory_space<vmem>>
      %dma_start3A_120 = arith.constant 0 : i32
      %dma_start3A_121 = arith.constant 0 : i32
      %dma_start3A_122 = arith.constant 0 : i32
      %dma_start3A_123 = tpu.memref_slice %arg7[%run_scoped3A_4, %dma_start3A_120, %dma_start3A_121, %dma_start3A_122] : memref<4x26x8x128xf32, #tpu.memory_space<vmem>> -> memref<1x25x8x128xf32, #tpu.memory_space<vmem>>
      %dma_start3A_124 = tpu.memref_squeeze %dma_start3A_123 : memref<1x25x8x128xf32, #tpu.memory_space<vmem>> -> memref<25x8x128xf32, #tpu.memory_space<vmem>>
      tpu.enqueue_dma source(%arg3 : memref<25x8x128xf32, #tpu.memory_space<hbm>>) target(%dma_start3A_124 : memref<25x8x128xf32, #tpu.memory_space<vmem>>) target_semaphore(%run_scoped3A_115 : memref<!tpu.dma_semaphore, #tpu.memory_space<semaphore_mem>>)
      %dma_wait3A_125 = arith.constant 0 : i32
      %dma_wait3A_126 = arith.constant 0 : i32
      %dma_wait3A_127 = arith.constant 0 : i32
      %dma_wait3A_128 = tpu.memref_slice %arg7[%run_scoped3A_4, %dma_wait3A_125, %dma_wait3A_126, %dma_wait3A_127] : memref<4x26x8x128xf32, #tpu.memory_space<vmem>> -> memref<1x25x8x128xf32, #tpu.memory_space<vmem>>
      %dma_wait3A_129 = tpu.memref_squeeze %dma_wait3A_128 : memref<1x25x8x128xf32, #tpu.memory_space<vmem>> -> memref<25x8x128xf32, #tpu.memory_space<vmem>>
      %dma_wait3A_130 = arith.constant 0 : i32
      %dma_wait3A_131 = arith.constant 0 : i32
      %dma_wait3A_132 = arith.constant 0 : i32
      %dma_wait3A_133 = tpu.memref_slice %arg7[%run_scoped3A_4, %dma_wait3A_130, %dma_wait3A_131, %dma_wait3A_132] : memref<4x26x8x128xf32, #tpu.memory_space<vmem>> -> memref<1x25x8x128xf32, #tpu.memory_space<vmem>>
      %dma_wait3A_134 = tpu.memref_squeeze %dma_wait3A_133 : memref<1x25x8x128xf32, #tpu.memory_space<vmem>> -> memref<25x8x128xf32, #tpu.memory_space<vmem>>
      tpu.wait_dma2 semaphore(%run_scoped3A_115 : memref<!tpu.dma_semaphore, #tpu.memory_space<semaphore_mem>>) src(%arg3 : memref<25x8x128xf32, #tpu.memory_space<hbm>>) dst(%dma_wait3A_134 : memref<25x8x128xf32, #tpu.memory_space<vmem>>)
      tpu.yield
    }) : () -> ()
    %run_scoped3A_5 = arith.constant 2 : i32
    "tpu.region"() ({
      %run_scoped3A_115 = tpu.sem_alloc : memref<!tpu.dma_semaphore, #tpu.memory_space<semaphore_mem>>
      %dma_start3A = arith.constant 0 : i32
      %dma_start3A_116 = arith.constant 0 : i32
      %dma_start3A_117 = arith.constant 0 : i32
      %dma_start3A_118 = tpu.memref_slice %arg7[%run_scoped3A_5, %dma_start3A, %dma_start3A_116, %dma_start3A_117] : memref<4x26x8x128xf32, #tpu.memory_space<vmem>> -> memref<1x25x8x128xf32, #tpu.memory_space<vmem>>
      %dma_start3A_119 = tpu.memref_squeeze %dma_start3A_118 : memref<1x25x8x128xf32, #tpu.memory_space<vmem>> -> memref<25x8x128xf32, #tpu.memory_space<vmem>>
      %dma_start3A_120 = arith.constant 0 : i32
      %dma_start3A_121 = arith.constant 0 : i32
      %dma_start3A_122 = arith.constant 0 : i32
      %dma_start3A_123 = tpu.memref_slice %arg7[%run_scoped3A_5, %dma_start3A_120, %dma_start3A_121, %dma_start3A_122] : memref<4x26x8x128xf32, #tpu.memory_space<vmem>> -> memref<1x25x8x128xf32, #tpu.memory_space<vmem>>
      %dma_start3A_124 = tpu.memref_squeeze %dma_start3A_123 : memref<1x25x8x128xf32, #tpu.memory_space<vmem>> -> memref<25x8x128xf32, #tpu.memory_space<vmem>>
      tpu.enqueue_dma source(%arg3 : memref<25x8x128xf32, #tpu.memory_space<hbm>>) target(%dma_start3A_124 : memref<25x8x128xf32, #tpu.memory_space<vmem>>) target_semaphore(%run_scoped3A_115 : memref<!tpu.dma_semaphore, #tpu.memory_space<semaphore_mem>>)
      %dma_wait3A_125 = arith.constant 0 : i32
      %dma_wait3A_126 = arith.constant 0 : i32
      %dma_wait3A_127 = arith.constant 0 : i32
      %dma_wait3A_128 = tpu.memref_slice %arg7[%run_scoped3A_5, %dma_wait3A_125, %dma_wait3A_126, %dma_wait3A_127] : memref<4x26x8x128xf32, #tpu.memory_space<vmem>> -> memref<1x25x8x128xf32, #tpu.memory_space<vmem>>
      %dma_wait3A_129 = tpu.memref_squeeze %dma_wait3A_128 : memref<1x25x8x128xf32, #tpu.memory_space<vmem>> -> memref<25x8x128xf32, #tpu.memory_space<vmem>>
      %dma_wait3A_130 = arith.constant 0 : i32
      %dma_wait3A_131 = arith.constant 0 : i32
      %dma_wait3A_132 = arith.constant 0 : i32
      %dma_wait3A_133 = tpu.memref_slice %arg7[%run_scoped3A_5, %dma_wait3A_130, %dma_wait3A_131, %dma_wait3A_132] : memref<4x26x8x128xf32, #tpu.memory_space<vmem>> -> memref<1x25x8x128xf32, #tpu.memory_space<vmem>>
      %dma_wait3A_134 = tpu.memref_squeeze %dma_wait3A_133 : memref<1x25x8x128xf32, #tpu.memory_space<vmem>> -> memref<25x8x128xf32, #tpu.memory_space<vmem>>
      tpu.wait_dma2 semaphore(%run_scoped3A_115 : memref<!tpu.dma_semaphore, #tpu.memory_space<semaphore_mem>>) src(%arg3 : memref<25x8x128xf32, #tpu.memory_space<hbm>>) dst(%dma_wait3A_134 : memref<25x8x128xf32, #tpu.memory_space<vmem>>)
      tpu.yield
    }) : () -> ()
    %run_scoped3A_6 = arith.constant 3 : i32
    "tpu.region"() ({
      %run_scoped3A_115 = tpu.sem_alloc : memref<!tpu.dma_semaphore, #tpu.memory_space<semaphore_mem>>
      %dma_start3A = arith.constant 0 : i32
      %dma_start3A_116 = arith.constant 0 : i32
      %dma_start3A_117 = arith.constant 0 : i32
      %dma_start3A_118 = tpu.memref_slice %arg7[%run_scoped3A_6, %dma_start3A, %dma_start3A_116, %dma_start3A_117] : memref<4x26x8x128xf32, #tpu.memory_space<vmem>> -> memref<1x25x8x128xf32, #tpu.memory_space<vmem>>
      %dma_start3A_119 = tpu.memref_squeeze %dma_start3A_118 : memref<1x25x8x128xf32, #tpu.memory_space<vmem>> -> memref<25x8x128xf32, #tpu.memory_space<vmem>>
      %dma_start3A_120 = arith.constant 0 : i32
      %dma_start3A_121 = arith.constant 0 : i32
      %dma_start3A_122 = arith.constant 0 : i32
      %dma_start3A_123 = tpu.memref_slice %arg7[%run_scoped3A_6, %dma_start3A_120, %dma_start3A_121, %dma_start3A_122] : memref<4x26x8x128xf32, #tpu.memory_space<vmem>> -> memref<1x25x8x128xf32, #tpu.memory_space<vmem>>
      %dma_start3A_124 = tpu.memref_squeeze %dma_start3A_123 : memref<1x25x8x128xf32, #tpu.memory_space<vmem>> -> memref<25x8x128xf32, #tpu.memory_space<vmem>>
      tpu.enqueue_dma source(%arg3 : memref<25x8x128xf32, #tpu.memory_space<hbm>>) target(%dma_start3A_124 : memref<25x8x128xf32, #tpu.memory_space<vmem>>) target_semaphore(%run_scoped3A_115 : memref<!tpu.dma_semaphore, #tpu.memory_space<semaphore_mem>>)
      %dma_wait3A_125 = arith.constant 0 : i32
      %dma_wait3A_126 = arith.constant 0 : i32
      %dma_wait3A_127 = arith.constant 0 : i32
      %dma_wait3A_128 = tpu.memref_slice %arg7[%run_scoped3A_6, %dma_wait3A_125, %dma_wait3A_126, %dma_wait3A_127] : memref<4x26x8x128xf32, #tpu.memory_space<vmem>> -> memref<1x25x8x128xf32, #tpu.memory_space<vmem>>
      %dma_wait3A_129 = tpu.memref_squeeze %dma_wait3A_128 : memref<1x25x8x128xf32, #tpu.memory_space<vmem>> -> memref<25x8x128xf32, #tpu.memory_space<vmem>>
      %dma_wait3A_130 = arith.constant 0 : i32
      %dma_wait3A_131 = arith.constant 0 : i32
      %dma_wait3A_132 = arith.constant 0 : i32
      %dma_wait3A_133 = tpu.memref_slice %arg7[%run_scoped3A_6, %dma_wait3A_130, %dma_wait3A_131, %dma_wait3A_132] : memref<4x26x8x128xf32, #tpu.memory_space<vmem>> -> memref<1x25x8x128xf32, #tpu.memory_space<vmem>>
      %dma_wait3A_134 = tpu.memref_squeeze %dma_wait3A_133 : memref<1x25x8x128xf32, #tpu.memory_space<vmem>> -> memref<25x8x128xf32, #tpu.memory_space<vmem>>
      tpu.wait_dma2 semaphore(%run_scoped3A_115 : memref<!tpu.dma_semaphore, #tpu.memory_space<semaphore_mem>>) src(%arg3 : memref<25x8x128xf32, #tpu.memory_space<hbm>>) dst(%dma_wait3A_134 : memref<25x8x128xf32, #tpu.memory_space<vmem>>)
      tpu.yield
    }) : () -> ()
    "tpu.region"() ({
      %run_scoped3A_115 = tpu.sem_alloc : memref<!tpu.dma_semaphore, #tpu.memory_space<semaphore_mem>>
      %dma_start3A = arith.constant 0 : i32
      %dma_start3A_116 = arith.constant 0 : i32
      %dma_start3A_117 = tpu.memref_slice %arg2[%dma_start3A, %add3A, %dma_start3A_116] : memref<26x32x128xi32, #tpu.memory_space<hbm>> -> memref<26x1x128xi32, #tpu.memory_space<hbm>>
      %dma_start3A_118 = tpu.memref_squeeze %dma_start3A_117 : memref<26x1x128xi32, #tpu.memory_space<hbm>> -> memref<26x128xi32, #tpu.memory_space<hbm>>
      %dma_start3A_119 = arith.constant 0 : i32
      %dma_start3A_120 = arith.constant 0 : i32
      %dma_start3A_121 = tpu.memref_slice %arg2[%dma_start3A_119, %add3A, %dma_start3A_120] : memref<26x32x128xi32, #tpu.memory_space<hbm>> -> memref<26x1x128xi32, #tpu.memory_space<hbm>>
      %dma_start3A_122 = tpu.memref_squeeze %dma_start3A_121 : memref<26x1x128xi32, #tpu.memory_space<hbm>> -> memref<26x128xi32, #tpu.memory_space<hbm>>
      tpu.enqueue_dma source(%dma_start3A_122 : memref<26x128xi32, #tpu.memory_space<hbm>>) target(%arg5 : memref<26x128xi32, #tpu.memory_space<vmem>>) target_semaphore(%run_scoped3A_115 : memref<!tpu.dma_semaphore, #tpu.memory_space<semaphore_mem>>)
      %dma_wait3A_123 = arith.constant 0 : i32
      %dma_wait3A_124 = arith.constant 0 : i32
      %dma_wait3A_125 = tpu.memref_slice %arg2[%dma_wait3A_123, %add3A, %dma_wait3A_124] : memref<26x32x128xi32, #tpu.memory_space<hbm>> -> memref<26x1x128xi32, #tpu.memory_space<hbm>>
      %dma_wait3A_126 = tpu.memref_squeeze %dma_wait3A_125 : memref<26x1x128xi32, #tpu.memory_space<hbm>> -> memref<26x128xi32, #tpu.memory_space<hbm>>
      %dma_wait3A_127 = arith.constant 0 : i32
      %dma_wait3A_128 = arith.constant 0 : i32
      %dma_wait3A_129 = tpu.memref_slice %arg2[%dma_wait3A_127, %add3A, %dma_wait3A_128] : memref<26x32x128xi32, #tpu.memory_space<hbm>> -> memref<26x1x128xi32, #tpu.memory_space<hbm>>
      %dma_wait3A_130 = tpu.memref_squeeze %dma_wait3A_129 : memref<26x1x128xi32, #tpu.memory_space<hbm>> -> memref<26x128xi32, #tpu.memory_space<hbm>>
      tpu.wait_dma2 semaphore(%run_scoped3A_115 : memref<!tpu.dma_semaphore, #tpu.memory_space<semaphore_mem>>) src(%dma_wait3A_130 : memref<26x128xi32, #tpu.memory_space<hbm>>) dst(%arg5 : memref<26x128xi32, #tpu.memory_space<vmem>>)
      tpu.yield
    }) : () -> ()
    %scan3A = arith.constant 0 : i32
    %scan3A_7 = arith.constant 0 : i32
    %scan3A_8 = arith.constant 130 : i32
    %scan3A_9 = arith.addi %scan3A_7, %scan3A_8 : i32
    %scan3A_10 = arith.constant 1 : i32
    scf.for %scan3A_115 = %scan3A_7 to %scan3A_9 step %scan3A_10  : i32 {
      %jit3A = arith.constant 5 : i32
      %div3A = arith.divsi %scan3A_115, %jit3A : i32
      %sign3A = arith.constant 0 : i32
      %sign3A_116 = arith.cmpi sgt, %scan3A_115, %sign3A : i32
      %sign3A_117 = arith.extui %sign3A_116 : i1 to i32
      %sign3A_118 = arith.constant 0 : i32
      %sign3A_119 = arith.cmpi slt, %scan3A_115, %sign3A_118 : i32
      %sign3A_120 = arith.extui %sign3A_119 : i1 to i32
      %sign3A_121 = arith.subi %sign3A_117, %sign3A_120 : i32
      %sign3A_122 = arith.constant 0 : i32
      %sign3A_123 = arith.cmpi sgt, %jit3A, %sign3A_122 : i32
      %sign3A_124 = arith.extui %sign3A_123 : i1 to i32
      %sign3A_125 = arith.constant 0 : i32
      %sign3A_126 = arith.cmpi slt, %jit3A, %sign3A_125 : i32
      %sign3A_127 = arith.extui %sign3A_126 : i1 to i32
      %sign3A_128 = arith.subi %sign3A_124, %sign3A_127 : i32
      %ne3A = arith.cmpi ne, %sign3A_121, %sign3A_128 : i32
      %rem3A = arith.remsi %scan3A_115, %jit3A : i32
      %ne3A_129 = arith.constant 0 : i32
      %ne3A_130 = arith.cmpi ne, %rem3A, %ne3A_129 : i32
      %and3A = arith.andi %ne3A, %ne3A_130 : i1
      %sub3A = arith.constant 1 : i32
      %sub3A_131 = arith.subi %div3A, %sub3A : i32
      %select_n3A = arith.select %and3A, %sub3A_131, %div3A : i32
      %mul3A_132 = arith.constant 5 : i32
      %mul3A_133 = arith.muli %select_n3A, %mul3A_132 : i32
      %sub3A_134 = arith.subi %scan3A_115, %mul3A_133 : i32
      %and3A_135 = arith.constant 3 : i32
      %and3A_136 = arith.andi %scan3A_115, %and3A_135 : i32
      %broadcast_in_dim3A_137 = vector.broadcast %and3A_136 : i32 to vector<16xi32>
      %mul3A_138 = arith.constant 25 : i32
      %mul3A_139 = arith.muli %sub3A_134, %mul3A_138 : i32
      %ge3A = arith.constant 4 : i32
      %ge3A_140 = arith.cmpi sge, %scan3A_115, %ge3A : i32
      %convert_element_type3A = arith.extui %ge3A_140 : i1 to i32
      %cond3A = arith.constant 0 : i32
      %cond3A_141 = arith.cmpi ne, %convert_element_type3A, %cond3A : i32
      scf.if %cond3A_141 {
        %dma_wait3A_540 = arith.constant 0 : i32
        %dma_wait3A_541 = arith.constant 0 : i32
        %dma_wait3A_542 = arith.constant 0 : i32
        %dma_wait3A_543 = arith.constant 0 : i32
        %dma_wait3A_544 = arith.constant 0 : i32
        %dma_wait3A_545 = tpu.memref_slice %arg7[%and3A_136, %dma_wait3A_542, %dma_wait3A_543, %dma_wait3A_544] : memref<4x26x8x128xf32, #tpu.memory_space<vmem>> -> memref<1x25x8x128xf32, #tpu.memory_space<vmem>>
        %dma_wait3A_546 = tpu.memref_squeeze %dma_wait3A_545 : memref<1x25x8x128xf32, #tpu.memory_space<vmem>> -> memref<25x8x128xf32, #tpu.memory_space<vmem>>
        %dma_wait3A_547 = arith.constant 0 : i32
        %dma_wait3A_548 = arith.constant 0 : i32
        %dma_wait3A_549 = arith.constant 0 : i32
        %dma_wait3A_550 = tpu.memref_slice %arg4[%dma_wait3A_540, %dma_wait3A_547, %dma_wait3A_541, %dma_wait3A_548, %dma_wait3A_549] : memref<26x125x32x8x128xf32, #tpu.memory_space<hbm>> -> memref<1x25x1x8x128xf32, #tpu.memory_space<hbm>>
        %dma_wait3A_551 = tpu.memref_squeeze %dma_wait3A_550 : memref<1x25x1x8x128xf32, #tpu.memory_space<hbm>> -> memref<25x8x128xf32, #tpu.memory_space<hbm>>
        %dma_wait3A_552 = tpu.memref_slice %arg8[%and3A_136] : memref<4x!tpu.dma_semaphore, #tpu.memory_space<semaphore_mem>> -> memref<1x!tpu.dma_semaphore, #tpu.memory_space<semaphore_mem>>
        %dma_wait3A_553 = tpu.memref_squeeze %dma_wait3A_552 : memref<1x!tpu.dma_semaphore, #tpu.memory_space<semaphore_mem>> -> memref<!tpu.dma_semaphore, #tpu.memory_space<semaphore_mem>>
        %dma_wait3A_554 = arith.constant 0 : i32
        %dma_wait3A_555 = arith.constant 0 : i32
        %dma_wait3A_556 = arith.constant 0 : i32
        %dma_wait3A_557 = tpu.memref_slice %arg4[%dma_wait3A_540, %dma_wait3A_554, %dma_wait3A_541, %dma_wait3A_555, %dma_wait3A_556] : memref<26x125x32x8x128xf32, #tpu.memory_space<hbm>> -> memref<1x25x1x8x128xf32, #tpu.memory_space<hbm>>
        %dma_wait3A_558 = tpu.memref_squeeze %dma_wait3A_557 : memref<1x25x1x8x128xf32, #tpu.memory_space<hbm>> -> memref<25x8x128xf32, #tpu.memory_space<hbm>>
        %dma_wait3A_559 = arith.constant 0 : i32
        %dma_wait3A_560 = arith.constant 0 : i32
        %dma_wait3A_561 = arith.constant 0 : i32
        %dma_wait3A_562 = tpu.memref_slice %arg7[%and3A_136, %dma_wait3A_559, %dma_wait3A_560, %dma_wait3A_561] : memref<4x26x8x128xf32, #tpu.memory_space<vmem>> -> memref<1x25x8x128xf32, #tpu.memory_space<vmem>>
        %dma_wait3A_563 = tpu.memref_squeeze %dma_wait3A_562 : memref<1x25x8x128xf32, #tpu.memory_space<vmem>> -> memref<25x8x128xf32, #tpu.memory_space<vmem>>
        tpu.wait_dma2 semaphore(%dma_wait3A_553 : memref<!tpu.dma_semaphore, #tpu.memory_space<semaphore_mem>>) src(%dma_wait3A_563 : memref<25x8x128xf32, #tpu.memory_space<vmem>>) dst(%dma_wait3A_558 : memref<25x8x128xf32, #tpu.memory_space<hbm>>)
        %get3A_564 = arith.index_cast %and3A_136 : i32 to index
        %get3A_565 = arith.constant 0 : index
        %get3A_566 = tpu.vector_load %arg6[%get3A_564, %get3A_565] {strides = array<i32>} : memref<4x128xi32, #tpu.memory_space<vmem>>, vector<16xi32>,
        %shift_right_arithmetic3A_567 = arith.constant 10 : i32
        %shift_right_arithmetic3A_568 = vector.broadcast %shift_right_arithmetic3A_567 : i32 to vector<16xi32>
        %shift_right_arithmetic3A_569 = arith.shrsi %get3A_566, %shift_right_arithmetic3A_568 : vector<16xi32>
        %shift_right_arithmetic3A_570 = arith.constant 7 : i32
        %shift_right_arithmetic3A_571 = vector.broadcast %shift_right_arithmetic3A_570 : i32 to vector<16xi32>
        %shift_right_arithmetic3A_572 = arith.shrsi %get3A_566, %shift_right_arithmetic3A_571 : vector<16xi32>
        %and3A_573 = arith.constant 7 : i32
        %and3A_574 = vector.broadcast %and3A_573 : i32 to vector<16xi32>
        %and3A_575 = arith.andi %shift_right_arithmetic3A_572, %and3A_574 : vector<16xi32>
        %and3A_576 = arith.constant 127 : i32
        %and3A_577 = vector.broadcast %and3A_576 : i32 to vector<16xi32>
        %and3A_578 = arith.andi %get3A_566, %and3A_577 : vector<16xi32>
        tpu.vector_store_idx %arg7[%broadcast_in_dim3A_137, %shift_right_arithmetic3A_569, %and3A_575, %and3A_578], %broadcast_in_dim3A_3 : memref<4x26x8x128xf32, #tpu.memory_space<vmem>>[vector<16xi32>, vector<16xi32>, vector<16xi32>, vector<16xi32>], vector<16xf32>,
        %get3A_579 = arith.index_cast %and3A_136 : i32 to index
        %get3A_580 = arith.constant 16 : index
        %get3A_581 = tpu.vector_load %arg6[%get3A_579, %get3A_580] {strides = array<i32>} : memref<4x128xi32, #tpu.memory_space<vmem>>, vector<16xi32>,
        %shift_right_arithmetic3A_582 = arith.constant 10 : i32
        %shift_right_arithmetic3A_583 = vector.broadcast %shift_right_arithmetic3A_582 : i32 to vector<16xi32>
        %shift_right_arithmetic3A_584 = arith.shrsi %get3A_581, %shift_right_arithmetic3A_583 : vector<16xi32>
        %shift_right_arithmetic3A_585 = arith.constant 7 : i32
        %shift_right_arithmetic3A_586 = vector.broadcast %shift_right_arithmetic3A_585 : i32 to vector<16xi32>
        %shift_right_arithmetic3A_587 = arith.shrsi %get3A_581, %shift_right_arithmetic3A_586 : vector<16xi32>
        %and3A_588 = arith.constant 7 : i32
        %and3A_589 = vector.broadcast %and3A_588 : i32 to vector<16xi32>
        %and3A_590 = arith.andi %shift_right_arithmetic3A_587, %and3A_589 : vector<16xi32>
        %and3A_591 = arith.constant 127 : i32
        %and3A_592 = vector.broadcast %and3A_591 : i32 to vector<16xi32>
        %and3A_593 = arith.andi %get3A_581, %and3A_592 : vector<16xi32>
        tpu.vector_store_idx %arg7[%broadcast_in_dim3A_137, %shift_right_arithmetic3A_584, %and3A_590, %and3A_593], %broadcast_in_dim3A_3 : memref<4x26x8x128xf32, #tpu.memory_space<vmem>>[vector<16xi32>, vector<16xi32>, vector<16xi32>, vector<16xi32>], vector<16xf32>,
        %get3A_594 = arith.index_cast %and3A_136 : i32 to index
        %get3A_595 = arith.constant 32 : index
        %get3A_596 = tpu.vector_load %arg6[%get3A_594, %get3A_595] {strides = array<i32>} : memref<4x128xi32, #tpu.memory_space<vmem>>, vector<16xi32>,
        %shift_right_arithmetic3A_597 = arith.constant 10 : i32
        %shift_right_arithmetic3A_598 = vector.broadcast %shift_right_arithmetic3A_597 : i32 to vector<16xi32>
        %shift_right_arithmetic3A_599 = arith.shrsi %get3A_596, %shift_right_arithmetic3A_598 : vector<16xi32>
        %shift_right_arithmetic3A_600 = arith.constant 7 : i32
        %shift_right_arithmetic3A_601 = vector.broadcast %shift_right_arithmetic3A_600 : i32 to vector<16xi32>
        %shift_right_arithmetic3A_602 = arith.shrsi %get3A_596, %shift_right_arithmetic3A_601 : vector<16xi32>
        %and3A_603 = arith.constant 7 : i32
        %and3A_604 = vector.broadcast %and3A_603 : i32 to vector<16xi32>
        %and3A_605 = arith.andi %shift_right_arithmetic3A_602, %and3A_604 : vector<16xi32>
        %and3A_606 = arith.constant 127 : i32
        %and3A_607 = vector.broadcast %and3A_606 : i32 to vector<16xi32>
        %and3A_608 = arith.andi %get3A_596, %and3A_607 : vector<16xi32>
        tpu.vector_store_idx %arg7[%broadcast_in_dim3A_137, %shift_right_arithmetic3A_599, %and3A_605, %and3A_608], %broadcast_in_dim3A_3 : memref<4x26x8x128xf32, #tpu.memory_space<vmem>>[vector<16xi32>, vector<16xi32>, vector<16xi32>, vector<16xi32>], vector<16xf32>,
        %get3A_609 = arith.index_cast %and3A_136 : i32 to index
        %get3A_610 = arith.constant 48 : index
        %get3A_611 = tpu.vector_load %arg6[%get3A_609, %get3A_610] {strides = array<i32>} : memref<4x128xi32, #tpu.memory_space<vmem>>, vector<16xi32>,
        %shift_right_arithmetic3A_612 = arith.constant 10 : i32
        %shift_right_arithmetic3A_613 = vector.broadcast %shift_right_arithmetic3A_612 : i32 to vector<16xi32>
        %shift_right_arithmetic3A_614 = arith.shrsi %get3A_611, %shift_right_arithmetic3A_613 : vector<16xi32>
        %shift_right_arithmetic3A_615 = arith.constant 7 : i32
        %shift_right_arithmetic3A_616 = vector.broadcast %shift_right_arithmetic3A_615 : i32 to vector<16xi32>
        %shift_right_arithmetic3A_617 = arith.shrsi %get3A_611, %shift_right_arithmetic3A_616 : vector<16xi32>
        %and3A_618 = arith.constant 7 : i32
        %and3A_619 = vector.broadcast %and3A_618 : i32 to vector<16xi32>
        %and3A_620 = arith.andi %shift_right_arithmetic3A_617, %and3A_619 : vector<16xi32>
        %and3A_621 = arith.constant 127 : i32
        %and3A_622 = vector.broadcast %and3A_621 : i32 to vector<16xi32>
        %and3A_623 = arith.andi %get3A_611, %and3A_622 : vector<16xi32>
        tpu.vector_store_idx %arg7[%broadcast_in_dim3A_137, %shift_right_arithmetic3A_614, %and3A_620, %and3A_623], %broadcast_in_dim3A_3 : memref<4x26x8x128xf32, #tpu.memory_space<vmem>>[vector<16xi32>, vector<16xi32>, vector<16xi32>, vector<16xi32>], vector<16xf32>,
        %get3A_624 = arith.index_cast %and3A_136 : i32 to index
        %get3A_625 = arith.constant 64 : index
        %get3A_626 = tpu.vector_load %arg6[%get3A_624, %get3A_625] {strides = array<i32>} : memref<4x128xi32, #tpu.memory_space<vmem>>, vector<16xi32>,
        %shift_right_arithmetic3A_627 = arith.constant 10 : i32
        %shift_right_arithmetic3A_628 = vector.broadcast %shift_right_arithmetic3A_627 : i32 to vector<16xi32>
        %shift_right_arithmetic3A_629 = arith.shrsi %get3A_626, %shift_right_arithmetic3A_628 : vector<16xi32>
        %shift_right_arithmetic3A_630 = arith.constant 7 : i32
        %shift_right_arithmetic3A_631 = vector.broadcast %shift_right_arithmetic3A_630 : i32 to vector<16xi32>
        %shift_right_arithmetic3A_632 = arith.shrsi %get3A_626, %shift_right_arithmetic3A_631 : vector<16xi32>
        %and3A_633 = arith.constant 7 : i32
        %and3A_634 = vector.broadcast %and3A_633 : i32 to vector<16xi32>
        %and3A_635 = arith.andi %shift_right_arithmetic3A_632, %and3A_634 : vector<16xi32>
        %and3A_636 = arith.constant 127 : i32
        %and3A_637 = vector.broadcast %and3A_636 : i32 to vector<16xi32>
        %and3A_638 = arith.andi %get3A_626, %and3A_637 : vector<16xi32>
        tpu.vector_store_idx %arg7[%broadcast_in_dim3A_137, %shift_right_arithmetic3A_629, %and3A_635, %and3A_638], %broadcast_in_dim3A_3 : memref<4x26x8x128xf32, #tpu.memory_space<vmem>>[vector<16xi32>, vector<16xi32>, vector<16xi32>, vector<16xi32>], vector<16xf32>,
        %get3A_639 = arith.index_cast %and3A_136 : i32 to index
        %get3A_640 = arith.constant 80 : index
        %get3A_641 = tpu.vector_load %arg6[%get3A_639, %get3A_640] {strides = array<i32>} : memref<4x128xi32, #tpu.memory_space<vmem>>, vector<16xi32>,
        %shift_right_arithmetic3A_642 = arith.constant 10 : i32
        %shift_right_arithmetic3A_643 = vector.broadcast %shift_right_arithmetic3A_642 : i32 to vector<16xi32>
        %shift_right_arithmetic3A_644 = arith.shrsi %get3A_641, %shift_right_arithmetic3A_643 : vector<16xi32>
        %shift_right_arithmetic3A_645 = arith.constant 7 : i32
        %shift_right_arithmetic3A_646 = vector.broadcast %shift_right_arithmetic3A_645 : i32 to vector<16xi32>
        %shift_right_arithmetic3A_647 = arith.shrsi %get3A_641, %shift_right_arithmetic3A_646 : vector<16xi32>
        %and3A_648 = arith.constant 7 : i32
        %and3A_649 = vector.broadcast %and3A_648 : i32 to vector<16xi32>
        %and3A_650 = arith.andi %shift_right_arithmetic3A_647, %and3A_649 : vector<16xi32>
        %and3A_651 = arith.constant 127 : i32
        %and3A_652 = vector.broadcast %and3A_651 : i32 to vector<16xi32>
        %and3A_653 = arith.andi %get3A_641, %and3A_652 : vector<16xi32>
        tpu.vector_store_idx %arg7[%broadcast_in_dim3A_137, %shift_right_arithmetic3A_644, %and3A_650, %and3A_653], %broadcast_in_dim3A_3 : memref<4x26x8x128xf32, #tpu.memory_space<vmem>>[vector<16xi32>, vector<16xi32>, vector<16xi32>, vector<16xi32>], vector<16xf32>,
        %get3A_654 = arith.index_cast %and3A_136 : i32 to index
        %get3A_655 = arith.constant 96 : index
        %get3A_656 = tpu.vector_load %arg6[%get3A_654, %get3A_655] {strides = array<i32>} : memref<4x128xi32, #tpu.memory_space<vmem>>, vector<16xi32>,
        %shift_right_arithmetic3A_657 = arith.constant 10 : i32
        %shift_right_arithmetic3A_658 = vector.broadcast %shift_right_arithmetic3A_657 : i32 to vector<16xi32>
        %shift_right_arithmetic3A_659 = arith.shrsi %get3A_656, %shift_right_arithmetic3A_658 : vector<16xi32>
        %shift_right_arithmetic3A_660 = arith.constant 7 : i32
        %shift_right_arithmetic3A_661 = vector.broadcast %shift_right_arithmetic3A_660 : i32 to vector<16xi32>
        %shift_right_arithmetic3A_662 = arith.shrsi %get3A_656, %shift_right_arithmetic3A_661 : vector<16xi32>
        %and3A_663 = arith.constant 7 : i32
        %and3A_664 = vector.broadcast %and3A_663 : i32 to vector<16xi32>
        %and3A_665 = arith.andi %shift_right_arithmetic3A_662, %and3A_664 : vector<16xi32>
        %and3A_666 = arith.constant 127 : i32
        %and3A_667 = vector.broadcast %and3A_666 : i32 to vector<16xi32>
        %and3A_668 = arith.andi %get3A_656, %and3A_667 : vector<16xi32>
        tpu.vector_store_idx %arg7[%broadcast_in_dim3A_137, %shift_right_arithmetic3A_659, %and3A_665, %and3A_668], %broadcast_in_dim3A_3 : memref<4x26x8x128xf32, #tpu.memory_space<vmem>>[vector<16xi32>, vector<16xi32>, vector<16xi32>, vector<16xi32>], vector<16xf32>,
        %get3A_669 = arith.index_cast %and3A_136 : i32 to index
        %get3A_670 = arith.constant 112 : index
        %get3A_671 = tpu.vector_load %arg6[%get3A_669, %get3A_670] {strides = array<i32>} : memref<4x128xi32, #tpu.memory_space<vmem>>, vector<16xi32>,
        %shift_right_arithmetic3A_672 = arith.constant 10 : i32
        %shift_right_arithmetic3A_673 = vector.broadcast %shift_right_arithmetic3A_672 : i32 to vector<16xi32>
        %shift_right_arithmetic3A_674 = arith.shrsi %get3A_671, %shift_right_arithmetic3A_673 : vector<16xi32>
        %shift_right_arithmetic3A_675 = arith.constant 7 : i32
        %shift_right_arithmetic3A_676 = vector.broadcast %shift_right_arithmetic3A_675 : i32 to vector<16xi32>
        %shift_right_arithmetic3A_677 = arith.shrsi %get3A_671, %shift_right_arithmetic3A_676 : vector<16xi32>
        %and3A_678 = arith.constant 7 : i32
        %and3A_679 = vector.broadcast %and3A_678 : i32 to vector<16xi32>
        %and3A_680 = arith.andi %shift_right_arithmetic3A_677, %and3A_679 : vector<16xi32>
        %and3A_681 = arith.constant 127 : i32
        %and3A_682 = vector.broadcast %and3A_681 : i32 to vector<16xi32>
        %and3A_683 = arith.andi %get3A_671, %and3A_682 : vector<16xi32>
        tpu.vector_store_idx %arg7[%broadcast_in_dim3A_137, %shift_right_arithmetic3A_674, %and3A_680, %and3A_683], %broadcast_in_dim3A_3 : memref<4x26x8x128xf32, #tpu.memory_space<vmem>>[vector<16xi32>, vector<16xi32>, vector<16xi32>, vector<16xi32>], vector<16xf32>,
      } else {
      }
      %get3A = arith.index_cast %select_n3A : i32 to index
      %get3A_142 = arith.constant 0 : index
      %get3A_143 = tpu.vector_load %arg5[%get3A, %get3A_142] {strides = array<i32>} : memref<26x128xi32, #tpu.memory_space<vmem>>, vector<16xi32>,
      %shift_right_arithmetic3A = arith.constant 3 : i32
      %shift_right_arithmetic3A_144 = vector.broadcast %shift_right_arithmetic3A : i32 to vector<16xi32>
      %shift_right_arithmetic3A_145 = arith.shrsi %get3A_143, %shift_right_arithmetic3A_144 : vector<16xi32>
      %ge3A_146 = vector.broadcast %mul3A_139 : i32 to vector<16xi32>
      %ge3A_147 = arith.cmpi sge, %shift_right_arithmetic3A_145, %ge3A_146 : vector<16xi32>
      %add3A_148 = arith.constant 25 : i32
      %add3A_149 = arith.addi %mul3A_139, %add3A_148 : i32
      %lt3A = vector.broadcast %add3A_149 : i32 to vector<16xi32>
      %lt3A_150 = arith.cmpi slt, %shift_right_arithmetic3A_145, %lt3A : vector<16xi32>
      %and3A_151 = arith.andi %ge3A_147, %lt3A_150 : vector<16xi1>
      %sub3A_152 = vector.broadcast %mul3A_139 : i32 to vector<16xi32>
      %sub3A_153 = arith.subi %shift_right_arithmetic3A_145, %sub3A_152 : vector<16xi32>
      %shift_left3A = arith.constant 10 : i32
      %shift_left3A_154 = vector.broadcast %shift_left3A : i32 to vector<16xi32>
      %shift_left3A_155 = arith.shli %sub3A_153, %shift_left3A_154 : vector<16xi32>
      %and3A_156 = arith.constant 7 : i32
      %and3A_157 = vector.broadcast %and3A_156 : i32 to vector<16xi32>
      %and3A_158 = arith.andi %get3A_143, %and3A_157 : vector<16xi32>
      %shift_left3A_159 = arith.constant 7 : i32
      %shift_left3A_160 = vector.broadcast %shift_left3A_159 : i32 to vector<16xi32>
      %shift_left3A_161 = arith.shli %and3A_158, %shift_left3A_160 : vector<16xi32>
      %add3A_162 = arith.addi %shift_left3A_155, %shift_left3A_161 : vector<16xi32>
      %add3A_163 = arith.constant 0 : i32
      %add3A_164 = vector.broadcast %add3A_163 : i32 to vector<16xi32>
      %add3A_165 = arith.addi %add3A_162, %add3A_164 : vector<16xi32>
      %add3A_166 = arith.addi %add3A_165, %iota3A : vector<16xi32>
      %add3A_167 = arith.constant 25600 : i32
      %add3A_168 = vector.broadcast %add3A_167 : i32 to vector<16xi32>
      %add3A_169 = arith.addi %add3A_168, %iota3A : vector<16xi32>
      %select_n3A_170 = arith.select %and3A_151, %add3A_166, %add3A_169 : vector<16xi1>, vector<16xi32>
      %swap3A = arith.index_cast %and3A_136 : i32 to index
      %swap3A_171 = arith.constant 0 : index
      %swap3A_172 = tpu.vector_load %arg6[%swap3A, %swap3A_171] {strides = array<i32>} : memref<4x128xi32, #tpu.memory_space<vmem>>, vector<16xi32>,
      tpu.vector_store %arg6[%swap3A, %swap3A_171], %select_n3A_170 {strides = array<i32>} : memref<4x128xi32, #tpu.memory_space<vmem>>, vector<16xi32>,
      %shift_right_arithmetic3A_173 = arith.constant 10 : i32
      %shift_right_arithmetic3A_174 = vector.broadcast %shift_right_arithmetic3A_173 : i32 to vector<16xi32>
      %shift_right_arithmetic3A_175 = arith.shrsi %select_n3A_170, %shift_right_arithmetic3A_174 : vector<16xi32>
      %shift_right_arithmetic3A_176 = arith.constant 7 : i32
      %shift_right_arithmetic3A_177 = vector.broadcast %shift_right_arithmetic3A_176 : i32 to vector<16xi32>
      %shift_right_arithmetic3A_178 = arith.shrsi %select_n3A_170, %shift_right_arithmetic3A_177 : vector<16xi32>
      %and3A_179 = arith.constant 7 : i32
      %and3A_180 = vector.broadcast %and3A_179 : i32 to vector<16xi32>
      %and3A_181 = arith.andi %shift_right_arithmetic3A_178, %and3A_180 : vector<16xi32>
      %and3A_182 = arith.constant 127 : i32
      %and3A_183 = vector.broadcast %and3A_182 : i32 to vector<16xi32>
      %and3A_184 = arith.andi %select_n3A_170, %and3A_183 : vector<16xi32>
      tpu.vector_store_idx %arg7[%broadcast_in_dim3A_137, %shift_right_arithmetic3A_175, %and3A_181, %and3A_184], %broadcast_in_dim3A_1 : memref<4x26x8x128xf32, #tpu.memory_space<vmem>>[vector<16xi32>, vector<16xi32>, vector<16xi32>, vector<16xi32>], vector<16xf32>,
      %get3A_185 = arith.index_cast %select_n3A : i32 to index
      %get3A_186 = arith.constant 16 : index
      %get3A_187 = tpu.vector_load %arg5[%get3A_185, %get3A_186] {strides = array<i32>} : memref<26x128xi32, #tpu.memory_space<vmem>>, vector<16xi32>,
      %shift_right_arithmetic3A_188 = arith.constant 3 : i32
      %shift_right_arithmetic3A_189 = vector.broadcast %shift_right_arithmetic3A_188 : i32 to vector<16xi32>
      %shift_right_arithmetic3A_190 = arith.shrsi %get3A_187, %shift_right_arithmetic3A_189 : vector<16xi32>
      %ge3A_191 = vector.broadcast %mul3A_139 : i32 to vector<16xi32>
      %ge3A_192 = arith.cmpi sge, %shift_right_arithmetic3A_190, %ge3A_191 : vector<16xi32>
      %add3A_193 = arith.constant 25 : i32
      %add3A_194 = arith.addi %mul3A_139, %add3A_193 : i32
      %lt3A_195 = vector.broadcast %add3A_194 : i32 to vector<16xi32>
      %lt3A_196 = arith.cmpi slt, %shift_right_arithmetic3A_190, %lt3A_195 : vector<16xi32>
      %and3A_197 = arith.andi %ge3A_192, %lt3A_196 : vector<16xi1>
      %sub3A_198 = vector.broadcast %mul3A_139 : i32 to vector<16xi32>
      %sub3A_199 = arith.subi %shift_right_arithmetic3A_190, %sub3A_198 : vector<16xi32>
      %shift_left3A_200 = arith.constant 10 : i32
      %shift_left3A_201 = vector.broadcast %shift_left3A_200 : i32 to vector<16xi32>
      %shift_left3A_202 = arith.shli %sub3A_199, %shift_left3A_201 : vector<16xi32>
      %and3A_203 = arith.constant 7 : i32
      %and3A_204 = vector.broadcast %and3A_203 : i32 to vector<16xi32>
      %and3A_205 = arith.andi %get3A_187, %and3A_204 : vector<16xi32>
      %shift_left3A_206 = arith.constant 7 : i32
      %shift_left3A_207 = vector.broadcast %shift_left3A_206 : i32 to vector<16xi32>
      %shift_left3A_208 = arith.shli %and3A_205, %shift_left3A_207 : vector<16xi32>
      %add3A_209 = arith.addi %shift_left3A_202, %shift_left3A_208 : vector<16xi32>
      %add3A_210 = arith.constant 16 : i32
      %add3A_211 = vector.broadcast %add3A_210 : i32 to vector<16xi32>
      %add3A_212 = arith.addi %add3A_209, %add3A_211 : vector<16xi32>
      %add3A_213 = arith.addi %add3A_212, %iota3A : vector<16xi32>
      %add3A_214 = arith.constant 25600 : i32
      %add3A_215 = vector.broadcast %add3A_214 : i32 to vector<16xi32>
      %add3A_216 = arith.addi %add3A_215, %iota3A : vector<16xi32>
      %select_n3A_217 = arith.select %and3A_197, %add3A_213, %add3A_216 : vector<16xi1>, vector<16xi32>
      %swap3A_218 = arith.index_cast %and3A_136 : i32 to index
      %swap3A_219 = arith.constant 16 : index
      %swap3A_220 = tpu.vector_load %arg6[%swap3A_218, %swap3A_219] {strides = array<i32>} : memref<4x128xi32, #tpu.memory_space<vmem>>, vector<16xi32>,
      tpu.vector_store %arg6[%swap3A_218, %swap3A_219], %select_n3A_217 {strides = array<i32>} : memref<4x128xi32, #tpu.memory_space<vmem>>, vector<16xi32>,
      %shift_right_arithmetic3A_221 = arith.constant 10 : i32
      %shift_right_arithmetic3A_222 = vector.broadcast %shift_right_arithmetic3A_221 : i32 to vector<16xi32>
      %shift_right_arithmetic3A_223 = arith.shrsi %select_n3A_217, %shift_right_arithmetic3A_222 : vector<16xi32>
      %shift_right_arithmetic3A_224 = arith.constant 7 : i32
      %shift_right_arithmetic3A_225 = vector.broadcast %shift_right_arithmetic3A_224 : i32 to vector<16xi32>
      %shift_right_arithmetic3A_226 = arith.shrsi %select_n3A_217, %shift_right_arithmetic3A_225 : vector<16xi32>
      %and3A_227 = arith.constant 7 : i32
      %and3A_228 = vector.broadcast %and3A_227 : i32 to vector<16xi32>
      %and3A_229 = arith.andi %shift_right_arithmetic3A_226, %and3A_228 : vector<16xi32>
      %and3A_230 = arith.constant 127 : i32
      %and3A_231 = vector.broadcast %and3A_230 : i32 to vector<16xi32>
      %and3A_232 = arith.andi %select_n3A_217, %and3A_231 : vector<16xi32>
      tpu.vector_store_idx %arg7[%broadcast_in_dim3A_137, %shift_right_arithmetic3A_223, %and3A_229, %and3A_232], %broadcast_in_dim3A_1 : memref<4x26x8x128xf32, #tpu.memory_space<vmem>>[vector<16xi32>, vector<16xi32>, vector<16xi32>, vector<16xi32>], vector<16xf32>,
      %get3A_233 = arith.index_cast %select_n3A : i32 to index
      %get3A_234 = arith.constant 32 : index
      %get3A_235 = tpu.vector_load %arg5[%get3A_233, %get3A_234] {strides = array<i32>} : memref<26x128xi32, #tpu.memory_space<vmem>>, vector<16xi32>,
      %shift_right_arithmetic3A_236 = arith.constant 3 : i32
      %shift_right_arithmetic3A_237 = vector.broadcast %shift_right_arithmetic3A_236 : i32 to vector<16xi32>
      %shift_right_arithmetic3A_238 = arith.shrsi %get3A_235, %shift_right_arithmetic3A_237 : vector<16xi32>
      %ge3A_239 = vector.broadcast %mul3A_139 : i32 to vector<16xi32>
      %ge3A_240 = arith.cmpi sge, %shift_right_arithmetic3A_238, %ge3A_239 : vector<16xi32>
      %add3A_241 = arith.constant 25 : i32
      %add3A_242 = arith.addi %mul3A_139, %add3A_241 : i32
      %lt3A_243 = vector.broadcast %add3A_242 : i32 to vector<16xi32>
      %lt3A_244 = arith.cmpi slt, %shift_right_arithmetic3A_238, %lt3A_243 : vector<16xi32>
      %and3A_245 = arith.andi %ge3A_240, %lt3A_244 : vector<16xi1>
      %sub3A_246 = vector.broadcast %mul3A_139 : i32 to vector<16xi32>
      %sub3A_247 = arith.subi %shift_right_arithmetic3A_238, %sub3A_246 : vector<16xi32>
      %shift_left3A_248 = arith.constant 10 : i32
      %shift_left3A_249 = vector.broadcast %shift_left3A_248 : i32 to vector<16xi32>
      %shift_left3A_250 = arith.shli %sub3A_247, %shift_left3A_249 : vector<16xi32>
      %and3A_251 = arith.constant 7 : i32
      %and3A_252 = vector.broadcast %and3A_251 : i32 to vector<16xi32>
      %and3A_253 = arith.andi %get3A_235, %and3A_252 : vector<16xi32>
      %shift_left3A_254 = arith.constant 7 : i32
      %shift_left3A_255 = vector.broadcast %shift_left3A_254 : i32 to vector<16xi32>
      %shift_left3A_256 = arith.shli %and3A_253, %shift_left3A_255 : vector<16xi32>
      %add3A_257 = arith.addi %shift_left3A_250, %shift_left3A_256 : vector<16xi32>
      %add3A_258 = arith.constant 32 : i32
      %add3A_259 = vector.broadcast %add3A_258 : i32 to vector<16xi32>
      %add3A_260 = arith.addi %add3A_257, %add3A_259 : vector<16xi32>
      %add3A_261 = arith.addi %add3A_260, %iota3A : vector<16xi32>
      %add3A_262 = arith.constant 25600 : i32
      %add3A_263 = vector.broadcast %add3A_262 : i32 to vector<16xi32>
      %add3A_264 = arith.addi %add3A_263, %iota3A : vector<16xi32>
      %select_n3A_265 = arith.select %and3A_245, %add3A_261, %add3A_264 : vector<16xi1>, vector<16xi32>
      %swap3A_266 = arith.index_cast %and3A_136 : i32 to index
      %swap3A_267 = arith.constant 32 : index
      %swap3A_268 = tpu.vector_load %arg6[%swap3A_266, %swap3A_267] {strides = array<i32>} : memref<4x128xi32, #tpu.memory_space<vmem>>, vector<16xi32>,
      tpu.vector_store %arg6[%swap3A_266, %swap3A_267], %select_n3A_265 {strides = array<i32>} : memref<4x128xi32, #tpu.memory_space<vmem>>, vector<16xi32>,
      %shift_right_arithmetic3A_269 = arith.constant 10 : i32
      %shift_right_arithmetic3A_270 = vector.broadcast %shift_right_arithmetic3A_269 : i32 to vector<16xi32>
      %shift_right_arithmetic3A_271 = arith.shrsi %select_n3A_265, %shift_right_arithmetic3A_270 : vector<16xi32>
      %shift_right_arithmetic3A_272 = arith.constant 7 : i32
      %shift_right_arithmetic3A_273 = vector.broadcast %shift_right_arithmetic3A_272 : i32 to vector<16xi32>
      %shift_right_arithmetic3A_274 = arith.shrsi %select_n3A_265, %shift_right_arithmetic3A_273 : vector<16xi32>
      %and3A_275 = arith.constant 7 : i32
      %and3A_276 = vector.broadcast %and3A_275 : i32 to vector<16xi32>
      %and3A_277 = arith.andi %shift_right_arithmetic3A_274, %and3A_276 : vector<16xi32>
      %and3A_278 = arith.constant 127 : i32
      %and3A_279 = vector.broadcast %and3A_278 : i32 to vector<16xi32>
      %and3A_280 = arith.andi %select_n3A_265, %and3A_279 : vector<16xi32>
      tpu.vector_store_idx %arg7[%broadcast_in_dim3A_137, %shift_right_arithmetic3A_271, %and3A_277, %and3A_280], %broadcast_in_dim3A_1 : memref<4x26x8x128xf32, #tpu.memory_space<vmem>>[vector<16xi32>, vector<16xi32>, vector<16xi32>, vector<16xi32>], vector<16xf32>,
      %get3A_281 = arith.index_cast %select_n3A : i32 to index
      %get3A_282 = arith.constant 48 : index
      %get3A_283 = tpu.vector_load %arg5[%get3A_281, %get3A_282] {strides = array<i32>} : memref<26x128xi32, #tpu.memory_space<vmem>>, vector<16xi32>,
      %shift_right_arithmetic3A_284 = arith.constant 3 : i32
      %shift_right_arithmetic3A_285 = vector.broadcast %shift_right_arithmetic3A_284 : i32 to vector<16xi32>
      %shift_right_arithmetic3A_286 = arith.shrsi %get3A_283, %shift_right_arithmetic3A_285 : vector<16xi32>
      %ge3A_287 = vector.broadcast %mul3A_139 : i32 to vector<16xi32>
      %ge3A_288 = arith.cmpi sge, %shift_right_arithmetic3A_286, %ge3A_287 : vector<16xi32>
      %add3A_289 = arith.constant 25 : i32
      %add3A_290 = arith.addi %mul3A_139, %add3A_289 : i32
      %lt3A_291 = vector.broadcast %add3A_290 : i32 to vector<16xi32>
      %lt3A_292 = arith.cmpi slt, %shift_right_arithmetic3A_286, %lt3A_291 : vector<16xi32>
      %and3A_293 = arith.andi %ge3A_288, %lt3A_292 : vector<16xi1>
      %sub3A_294 = vector.broadcast %mul3A_139 : i32 to vector<16xi32>
      %sub3A_295 = arith.subi %shift_right_arithmetic3A_286, %sub3A_294 : vector<16xi32>
      %shift_left3A_296 = arith.constant 10 : i32
      %shift_left3A_297 = vector.broadcast %shift_left3A_296 : i32 to vector<16xi32>
      %shift_left3A_298 = arith.shli %sub3A_295, %shift_left3A_297 : vector<16xi32>
      %and3A_299 = arith.constant 7 : i32
      %and3A_300 = vector.broadcast %and3A_299 : i32 to vector<16xi32>
      %and3A_301 = arith.andi %get3A_283, %and3A_300 : vector<16xi32>
      %shift_left3A_302 = arith.constant 7 : i32
      %shift_left3A_303 = vector.broadcast %shift_left3A_302 : i32 to vector<16xi32>
      %shift_left3A_304 = arith.shli %and3A_301, %shift_left3A_303 : vector<16xi32>
      %add3A_305 = arith.addi %shift_left3A_298, %shift_left3A_304 : vector<16xi32>
      %add3A_306 = arith.constant 48 : i32
      %add3A_307 = vector.broadcast %add3A_306 : i32 to vector<16xi32>
      %add3A_308 = arith.addi %add3A_305, %add3A_307 : vector<16xi32>
      %add3A_309 = arith.addi %add3A_308, %iota3A : vector<16xi32>
      %add3A_310 = arith.constant 25600 : i32
      %add3A_311 = vector.broadcast %add3A_310 : i32 to vector<16xi32>
      %add3A_312 = arith.addi %add3A_311, %iota3A : vector<16xi32>
      %select_n3A_313 = arith.select %and3A_293, %add3A_309, %add3A_312 : vector<16xi1>, vector<16xi32>
      %swap3A_314 = arith.index_cast %and3A_136 : i32 to index
      %swap3A_315 = arith.constant 48 : index
      %swap3A_316 = tpu.vector_load %arg6[%swap3A_314, %swap3A_315] {strides = array<i32>} : memref<4x128xi32, #tpu.memory_space<vmem>>, vector<16xi32>,
      tpu.vector_store %arg6[%swap3A_314, %swap3A_315], %select_n3A_313 {strides = array<i32>} : memref<4x128xi32, #tpu.memory_space<vmem>>, vector<16xi32>,
      %shift_right_arithmetic3A_317 = arith.constant 10 : i32
      %shift_right_arithmetic3A_318 = vector.broadcast %shift_right_arithmetic3A_317 : i32 to vector<16xi32>
      %shift_right_arithmetic3A_319 = arith.shrsi %select_n3A_313, %shift_right_arithmetic3A_318 : vector<16xi32>
      %shift_right_arithmetic3A_320 = arith.constant 7 : i32
      %shift_right_arithmetic3A_321 = vector.broadcast %shift_right_arithmetic3A_320 : i32 to vector<16xi32>
      %shift_right_arithmetic3A_322 = arith.shrsi %select_n3A_313, %shift_right_arithmetic3A_321 : vector<16xi32>
      %and3A_323 = arith.constant 7 : i32
      %and3A_324 = vector.broadcast %and3A_323 : i32 to vector<16xi32>
      %and3A_325 = arith.andi %shift_right_arithmetic3A_322, %and3A_324 : vector<16xi32>
      %and3A_326 = arith.constant 127 : i32
      %and3A_327 = vector.broadcast %and3A_326 : i32 to vector<16xi32>
      %and3A_328 = arith.andi %select_n3A_313, %and3A_327 : vector<16xi32>
      tpu.vector_store_idx %arg7[%broadcast_in_dim3A_137, %shift_right_arithmetic3A_319, %and3A_325, %and3A_328], %broadcast_in_dim3A_1 : memref<4x26x8x128xf32, #tpu.memory_space<vmem>>[vector<16xi32>, vector<16xi32>, vector<16xi32>, vector<16xi32>], vector<16xf32>,
      %get3A_329 = arith.index_cast %select_n3A : i32 to index
      %get3A_330 = arith.constant 64 : index
      %get3A_331 = tpu.vector_load %arg5[%get3A_329, %get3A_330] {strides = array<i32>} : memref<26x128xi32, #tpu.memory_space<vmem>>, vector<16xi32>,
      %shift_right_arithmetic3A_332 = arith.constant 3 : i32
      %shift_right_arithmetic3A_333 = vector.broadcast %shift_right_arithmetic3A_332 : i32 to vector<16xi32>
      %shift_right_arithmetic3A_334 = arith.shrsi %get3A_331, %shift_right_arithmetic3A_333 : vector<16xi32>
      %ge3A_335 = vector.broadcast %mul3A_139 : i32 to vector<16xi32>
      %ge3A_336 = arith.cmpi sge, %shift_right_arithmetic3A_334, %ge3A_335 : vector<16xi32>
      %add3A_337 = arith.constant 25 : i32
      %add3A_338 = arith.addi %mul3A_139, %add3A_337 : i32
      %lt3A_339 = vector.broadcast %add3A_338 : i32 to vector<16xi32>
      %lt3A_340 = arith.cmpi slt, %shift_right_arithmetic3A_334, %lt3A_339 : vector<16xi32>
      %and3A_341 = arith.andi %ge3A_336, %lt3A_340 : vector<16xi1>
      %sub3A_342 = vector.broadcast %mul3A_139 : i32 to vector<16xi32>
      %sub3A_343 = arith.subi %shift_right_arithmetic3A_334, %sub3A_342 : vector<16xi32>
      %shift_left3A_344 = arith.constant 10 : i32
      %shift_left3A_345 = vector.broadcast %shift_left3A_344 : i32 to vector<16xi32>
      %shift_left3A_346 = arith.shli %sub3A_343, %shift_left3A_345 : vector<16xi32>
      %and3A_347 = arith.constant 7 : i32
      %and3A_348 = vector.broadcast %and3A_347 : i32 to vector<16xi32>
      %and3A_349 = arith.andi %get3A_331, %and3A_348 : vector<16xi32>
      %shift_left3A_350 = arith.constant 7 : i32
      %shift_left3A_351 = vector.broadcast %shift_left3A_350 : i32 to vector<16xi32>
      %shift_left3A_352 = arith.shli %and3A_349, %shift_left3A_351 : vector<16xi32>
      %add3A_353 = arith.addi %shift_left3A_346, %shift_left3A_352 : vector<16xi32>
      %add3A_354 = arith.constant 64 : i32
      %add3A_355 = vector.broadcast %add3A_354 : i32 to vector<16xi32>
      %add3A_356 = arith.addi %add3A_353, %add3A_355 : vector<16xi32>
      %add3A_357 = arith.addi %add3A_356, %iota3A : vector<16xi32>
      %add3A_358 = arith.constant 25600 : i32
      %add3A_359 = vector.broadcast %add3A_358 : i32 to vector<16xi32>
      %add3A_360 = arith.addi %add3A_359, %iota3A : vector<16xi32>
      %select_n3A_361 = arith.select %and3A_341, %add3A_357, %add3A_360 : vector<16xi1>, vector<16xi32>
      %swap3A_362 = arith.index_cast %and3A_136 : i32 to index
      %swap3A_363 = arith.constant 64 : index
      %swap3A_364 = tpu.vector_load %arg6[%swap3A_362, %swap3A_363] {strides = array<i32>} : memref<4x128xi32, #tpu.memory_space<vmem>>, vector<16xi32>,
      tpu.vector_store %arg6[%swap3A_362, %swap3A_363], %select_n3A_361 {strides = array<i32>} : memref<4x128xi32, #tpu.memory_space<vmem>>, vector<16xi32>,
      %shift_right_arithmetic3A_365 = arith.constant 10 : i32
      %shift_right_arithmetic3A_366 = vector.broadcast %shift_right_arithmetic3A_365 : i32 to vector<16xi32>
      %shift_right_arithmetic3A_367 = arith.shrsi %select_n3A_361, %shift_right_arithmetic3A_366 : vector<16xi32>
      %shift_right_arithmetic3A_368 = arith.constant 7 : i32
      %shift_right_arithmetic3A_369 = vector.broadcast %shift_right_arithmetic3A_368 : i32 to vector<16xi32>
      %shift_right_arithmetic3A_370 = arith.shrsi %select_n3A_361, %shift_right_arithmetic3A_369 : vector<16xi32>
      %and3A_371 = arith.constant 7 : i32
      %and3A_372 = vector.broadcast %and3A_371 : i32 to vector<16xi32>
      %and3A_373 = arith.andi %shift_right_arithmetic3A_370, %and3A_372 : vector<16xi32>
      %and3A_374 = arith.constant 127 : i32
      %and3A_375 = vector.broadcast %and3A_374 : i32 to vector<16xi32>
      %and3A_376 = arith.andi %select_n3A_361, %and3A_375 : vector<16xi32>
      tpu.vector_store_idx %arg7[%broadcast_in_dim3A_137, %shift_right_arithmetic3A_367, %and3A_373, %and3A_376], %broadcast_in_dim3A_1 : memref<4x26x8x128xf32, #tpu.memory_space<vmem>>[vector<16xi32>, vector<16xi32>, vector<16xi32>, vector<16xi32>], vector<16xf32>,
      %get3A_377 = arith.index_cast %select_n3A : i32 to index
      %get3A_378 = arith.constant 80 : index
      %get3A_379 = tpu.vector_load %arg5[%get3A_377, %get3A_378] {strides = array<i32>} : memref<26x128xi32, #tpu.memory_space<vmem>>, vector<16xi32>,
      %shift_right_arithmetic3A_380 = arith.constant 3 : i32
      %shift_right_arithmetic3A_381 = vector.broadcast %shift_right_arithmetic3A_380 : i32 to vector<16xi32>
      %shift_right_arithmetic3A_382 = arith.shrsi %get3A_379, %shift_right_arithmetic3A_381 : vector<16xi32>
      %ge3A_383 = vector.broadcast %mul3A_139 : i32 to vector<16xi32>
      %ge3A_384 = arith.cmpi sge, %shift_right_arithmetic3A_382, %ge3A_383 : vector<16xi32>
      %add3A_385 = arith.constant 25 : i32
      %add3A_386 = arith.addi %mul3A_139, %add3A_385 : i32
      %lt3A_387 = vector.broadcast %add3A_386 : i32 to vector<16xi32>
      %lt3A_388 = arith.cmpi slt, %shift_right_arithmetic3A_382, %lt3A_387 : vector<16xi32>
      %and3A_389 = arith.andi %ge3A_384, %lt3A_388 : vector<16xi1>
      %sub3A_390 = vector.broadcast %mul3A_139 : i32 to vector<16xi32>
      %sub3A_391 = arith.subi %shift_right_arithmetic3A_382, %sub3A_390 : vector<16xi32>
      %shift_left3A_392 = arith.constant 10 : i32
      %shift_left3A_393 = vector.broadcast %shift_left3A_392 : i32 to vector<16xi32>
      %shift_left3A_394 = arith.shli %sub3A_391, %shift_left3A_393 : vector<16xi32>
      %and3A_395 = arith.constant 7 : i32
      %and3A_396 = vector.broadcast %and3A_395 : i32 to vector<16xi32>
      %and3A_397 = arith.andi %get3A_379, %and3A_396 : vector<16xi32>
      %shift_left3A_398 = arith.constant 7 : i32
      %shift_left3A_399 = vector.broadcast %shift_left3A_398 : i32 to vector<16xi32>
      %shift_left3A_400 = arith.shli %and3A_397, %shift_left3A_399 : vector<16xi32>
      %add3A_401 = arith.addi %shift_left3A_394, %shift_left3A_400 : vector<16xi32>
      %add3A_402 = arith.constant 80 : i32
      %add3A_403 = vector.broadcast %add3A_402 : i32 to vector<16xi32>
      %add3A_404 = arith.addi %add3A_401, %add3A_403 : vector<16xi32>
      %add3A_405 = arith.addi %add3A_404, %iota3A : vector<16xi32>
      %add3A_406 = arith.constant 25600 : i32
      %add3A_407 = vector.broadcast %add3A_406 : i32 to vector<16xi32>
      %add3A_408 = arith.addi %add3A_407, %iota3A : vector<16xi32>
      %select_n3A_409 = arith.select %and3A_389, %add3A_405, %add3A_408 : vector<16xi1>, vector<16xi32>
      %swap3A_410 = arith.index_cast %and3A_136 : i32 to index
      %swap3A_411 = arith.constant 80 : index
      %swap3A_412 = tpu.vector_load %arg6[%swap3A_410, %swap3A_411] {strides = array<i32>} : memref<4x128xi32, #tpu.memory_space<vmem>>, vector<16xi32>,
      tpu.vector_store %arg6[%swap3A_410, %swap3A_411], %select_n3A_409 {strides = array<i32>} : memref<4x128xi32, #tpu.memory_space<vmem>>, vector<16xi32>,
      %shift_right_arithmetic3A_413 = arith.constant 10 : i32
      %shift_right_arithmetic3A_414 = vector.broadcast %shift_right_arithmetic3A_413 : i32 to vector<16xi32>
      %shift_right_arithmetic3A_415 = arith.shrsi %select_n3A_409, %shift_right_arithmetic3A_414 : vector<16xi32>
      %shift_right_arithmetic3A_416 = arith.constant 7 : i32
      %shift_right_arithmetic3A_417 = vector.broadcast %shift_right_arithmetic3A_416 : i32 to vector<16xi32>
      %shift_right_arithmetic3A_418 = arith.shrsi %select_n3A_409, %shift_right_arithmetic3A_417 : vector<16xi32>
      %and3A_419 = arith.constant 7 : i32
      %and3A_420 = vector.broadcast %and3A_419 : i32 to vector<16xi32>
      %and3A_421 = arith.andi %shift_right_arithmetic3A_418, %and3A_420 : vector<16xi32>
      %and3A_422 = arith.constant 127 : i32
      %and3A_423 = vector.broadcast %and3A_422 : i32 to vector<16xi32>
      %and3A_424 = arith.andi %select_n3A_409, %and3A_423 : vector<16xi32>
      tpu.vector_store_idx %arg7[%broadcast_in_dim3A_137, %shift_right_arithmetic3A_415, %and3A_421, %and3A_424], %broadcast_in_dim3A_1 : memref<4x26x8x128xf32, #tpu.memory_space<vmem>>[vector<16xi32>, vector<16xi32>, vector<16xi32>, vector<16xi32>], vector<16xf32>,
      %get3A_425 = arith.index_cast %select_n3A : i32 to index
      %get3A_426 = arith.constant 96 : index
      %get3A_427 = tpu.vector_load %arg5[%get3A_425, %get3A_426] {strides = array<i32>} : memref<26x128xi32, #tpu.memory_space<vmem>>, vector<16xi32>,
      %shift_right_arithmetic3A_428 = arith.constant 3 : i32
      %shift_right_arithmetic3A_429 = vector.broadcast %shift_right_arithmetic3A_428 : i32 to vector<16xi32>
      %shift_right_arithmetic3A_430 = arith.shrsi %get3A_427, %shift_right_arithmetic3A_429 : vector<16xi32>
      %ge3A_431 = vector.broadcast %mul3A_139 : i32 to vector<16xi32>
      %ge3A_432 = arith.cmpi sge, %shift_right_arithmetic3A_430, %ge3A_431 : vector<16xi32>
      %add3A_433 = arith.constant 25 : i32
      %add3A_434 = arith.addi %mul3A_139, %add3A_433 : i32
      %lt3A_435 = vector.broadcast %add3A_434 : i32 to vector<16xi32>
      %lt3A_436 = arith.cmpi slt, %shift_right_arithmetic3A_430, %lt3A_435 : vector<16xi32>
      %and3A_437 = arith.andi %ge3A_432, %lt3A_436 : vector<16xi1>
      %sub3A_438 = vector.broadcast %mul3A_139 : i32 to vector<16xi32>
      %sub3A_439 = arith.subi %shift_right_arithmetic3A_430, %sub3A_438 : vector<16xi32>
      %shift_left3A_440 = arith.constant 10 : i32
      %shift_left3A_441 = vector.broadcast %shift_left3A_440 : i32 to vector<16xi32>
      %shift_left3A_442 = arith.shli %sub3A_439, %shift_left3A_441 : vector<16xi32>
      %and3A_443 = arith.constant 7 : i32
      %and3A_444 = vector.broadcast %and3A_443 : i32 to vector<16xi32>
      %and3A_445 = arith.andi %get3A_427, %and3A_444 : vector<16xi32>
      %shift_left3A_446 = arith.constant 7 : i32
      %shift_left3A_447 = vector.broadcast %shift_left3A_446 : i32 to vector<16xi32>
      %shift_left3A_448 = arith.shli %and3A_445, %shift_left3A_447 : vector<16xi32>
      %add3A_449 = arith.addi %shift_left3A_442, %shift_left3A_448 : vector<16xi32>
      %add3A_450 = arith.constant 96 : i32
      %add3A_451 = vector.broadcast %add3A_450 : i32 to vector<16xi32>
      %add3A_452 = arith.addi %add3A_449, %add3A_451 : vector<16xi32>
      %add3A_453 = arith.addi %add3A_452, %iota3A : vector<16xi32>
      %add3A_454 = arith.constant 25600 : i32
      %add3A_455 = vector.broadcast %add3A_454 : i32 to vector<16xi32>
      %add3A_456 = arith.addi %add3A_455, %iota3A : vector<16xi32>
      %select_n3A_457 = arith.select %and3A_437, %add3A_453, %add3A_456 : vector<16xi1>, vector<16xi32>
      %swap3A_458 = arith.index_cast %and3A_136 : i32 to index
      %swap3A_459 = arith.constant 96 : index
      %swap3A_460 = tpu.vector_load %arg6[%swap3A_458, %swap3A_459] {strides = array<i32>} : memref<4x128xi32, #tpu.memory_space<vmem>>, vector<16xi32>,
      tpu.vector_store %arg6[%swap3A_458, %swap3A_459], %select_n3A_457 {strides = array<i32>} : memref<4x128xi32, #tpu.memory_space<vmem>>, vector<16xi32>,
      %shift_right_arithmetic3A_461 = arith.constant 10 : i32
      %shift_right_arithmetic3A_462 = vector.broadcast %shift_right_arithmetic3A_461 : i32 to vector<16xi32>
      %shift_right_arithmetic3A_463 = arith.shrsi %select_n3A_457, %shift_right_arithmetic3A_462 : vector<16xi32>
      %shift_right_arithmetic3A_464 = arith.constant 7 : i32
      %shift_right_arithmetic3A_465 = vector.broadcast %shift_right_arithmetic3A_464 : i32 to vector<16xi32>
      %shift_right_arithmetic3A_466 = arith.shrsi %select_n3A_457, %shift_right_arithmetic3A_465 : vector<16xi32>
      %and3A_467 = arith.constant 7 : i32
      %and3A_468 = vector.broadcast %and3A_467 : i32 to vector<16xi32>
      %and3A_469 = arith.andi %shift_right_arithmetic3A_466, %and3A_468 : vector<16xi32>
      %and3A_470 = arith.constant 127 : i32
      %and3A_471 = vector.broadcast %and3A_470 : i32 to vector<16xi32>
      %and3A_472 = arith.andi %select_n3A_457, %and3A_471 : vector<16xi32>
      tpu.vector_store_idx %arg7[%broadcast_in_dim3A_137, %shift_right_arithmetic3A_463, %and3A_469, %and3A_472], %broadcast_in_dim3A_1 : memref<4x26x8x128xf32, #tpu.memory_space<vmem>>[vector<16xi32>, vector<16xi32>, vector<16xi32>, vector<16xi32>], vector<16xf32>,
      %get3A_473 = arith.index_cast %select_n3A : i32 to index
      %get3A_474 = arith.constant 112 : index
      %get3A_475 = tpu.vector_load %arg5[%get3A_473, %get3A_474] {strides = array<i32>} : memref<26x128xi32, #tpu.memory_space<vmem>>, vector<16xi32>,
      %shift_right_arithmetic3A_476 = arith.constant 3 : i32
      %shift_right_arithmetic3A_477 = vector.broadcast %shift_right_arithmetic3A_476 : i32 to vector<16xi32>
      %shift_right_arithmetic3A_478 = arith.shrsi %get3A_475, %shift_right_arithmetic3A_477 : vector<16xi32>
      %ge3A_479 = vector.broadcast %mul3A_139 : i32 to vector<16xi32>
      %ge3A_480 = arith.cmpi sge, %shift_right_arithmetic3A_478, %ge3A_479 : vector<16xi32>
      %add3A_481 = arith.constant 25 : i32
      %add3A_482 = arith.addi %mul3A_139, %add3A_481 : i32
      %lt3A_483 = vector.broadcast %add3A_482 : i32 to vector<16xi32>
      %lt3A_484 = arith.cmpi slt, %shift_right_arithmetic3A_478, %lt3A_483 : vector<16xi32>
      %and3A_485 = arith.andi %ge3A_480, %lt3A_484 : vector<16xi1>
      %sub3A_486 = vector.broadcast %mul3A_139 : i32 to vector<16xi32>
      %sub3A_487 = arith.subi %shift_right_arithmetic3A_478, %sub3A_486 : vector<16xi32>
      %shift_left3A_488 = arith.constant 10 : i32
      %shift_left3A_489 = vector.broadcast %shift_left3A_488 : i32 to vector<16xi32>
      %shift_left3A_490 = arith.shli %sub3A_487, %shift_left3A_489 : vector<16xi32>
      %and3A_491 = arith.constant 7 : i32
      %and3A_492 = vector.broadcast %and3A_491 : i32 to vector<16xi32>
      %and3A_493 = arith.andi %get3A_475, %and3A_492 : vector<16xi32>
      %shift_left3A_494 = arith.constant 7 : i32
      %shift_left3A_495 = vector.broadcast %shift_left3A_494 : i32 to vector<16xi32>
      %shift_left3A_496 = arith.shli %and3A_493, %shift_left3A_495 : vector<16xi32>
      %add3A_497 = arith.addi %shift_left3A_490, %shift_left3A_496 : vector<16xi32>
      %add3A_498 = arith.constant 112 : i32
      %add3A_499 = vector.broadcast %add3A_498 : i32 to vector<16xi32>
      %add3A_500 = arith.addi %add3A_497, %add3A_499 : vector<16xi32>
      %add3A_501 = arith.addi %add3A_500, %iota3A : vector<16xi32>
      %add3A_502 = arith.constant 25600 : i32
      %add3A_503 = vector.broadcast %add3A_502 : i32 to vector<16xi32>
      %add3A_504 = arith.addi %add3A_503, %iota3A : vector<16xi32>
      %select_n3A_505 = arith.select %and3A_485, %add3A_501, %add3A_504 : vector<16xi1>, vector<16xi32>
      %swap3A_506 = arith.index_cast %and3A_136 : i32 to index
      %swap3A_507 = arith.constant 112 : index
      %swap3A_508 = tpu.vector_load %arg6[%swap3A_506, %swap3A_507] {strides = array<i32>} : memref<4x128xi32, #tpu.memory_space<vmem>>, vector<16xi32>,
      tpu.vector_store %arg6[%swap3A_506, %swap3A_507], %select_n3A_505 {strides = array<i32>} : memref<4x128xi32, #tpu.memory_space<vmem>>, vector<16xi32>,
      %shift_right_arithmetic3A_509 = arith.constant 10 : i32
      %shift_right_arithmetic3A_510 = vector.broadcast %shift_right_arithmetic3A_509 : i32 to vector<16xi32>
      %shift_right_arithmetic3A_511 = arith.shrsi %select_n3A_505, %shift_right_arithmetic3A_510 : vector<16xi32>
      %shift_right_arithmetic3A_512 = arith.constant 7 : i32
      %shift_right_arithmetic3A_513 = vector.broadcast %shift_right_arithmetic3A_512 : i32 to vector<16xi32>
      %shift_right_arithmetic3A_514 = arith.shrsi %select_n3A_505, %shift_right_arithmetic3A_513 : vector<16xi32>
      %and3A_515 = arith.constant 7 : i32
      %and3A_516 = vector.broadcast %and3A_515 : i32 to vector<16xi32>
      %and3A_517 = arith.andi %shift_right_arithmetic3A_514, %and3A_516 : vector<16xi32>
      %and3A_518 = arith.constant 127 : i32
      %and3A_519 = vector.broadcast %and3A_518 : i32 to vector<16xi32>
      %and3A_520 = arith.andi %select_n3A_505, %and3A_519 : vector<16xi32>
      tpu.vector_store_idx %arg7[%broadcast_in_dim3A_137, %shift_right_arithmetic3A_511, %and3A_517, %and3A_520], %broadcast_in_dim3A_1 : memref<4x26x8x128xf32, #tpu.memory_space<vmem>>[vector<16xi32>, vector<16xi32>, vector<16xi32>, vector<16xi32>], vector<16xf32>,
      %dma_start3A = arith.constant 0 : i32
      %dma_start3A_521 = arith.constant 0 : i32
      %dma_start3A_522 = arith.constant 0 : i32
      %dma_start3A_523 = tpu.memref_slice %arg7[%and3A_136, %dma_start3A, %dma_start3A_521, %dma_start3A_522] : memref<4x26x8x128xf32, #tpu.memory_space<vmem>> -> memref<1x25x8x128xf32, #tpu.memory_space<vmem>>
      %dma_start3A_524 = tpu.memref_squeeze %dma_start3A_523 : memref<1x25x8x128xf32, #tpu.memory_space<vmem>> -> memref<25x8x128xf32, #tpu.memory_space<vmem>>
      %dma_start3A_525 = arith.constant 0 : i32
      %dma_start3A_526 = arith.constant 0 : i32
      %dma_start3A_527 = tpu.memref_slice %arg4[%select_n3A, %mul3A_139, %add3A, %dma_start3A_525, %dma_start3A_526] : memref<26x125x32x8x128xf32, #tpu.memory_space<hbm>> -> memref<1x25x1x8x128xf32, #tpu.memory_space<hbm>>
      %dma_start3A_528 = tpu.memref_squeeze %dma_start3A_527 : memref<1x25x1x8x128xf32, #tpu.memory_space<hbm>> -> memref<25x8x128xf32, #tpu.memory_space<hbm>>
      %dma_start3A_529 = tpu.memref_slice %arg8[%and3A_136] : memref<4x!tpu.dma_semaphore, #tpu.memory_space<semaphore_mem>> -> memref<1x!tpu.dma_semaphore, #tpu.memory_space<semaphore_mem>>
      %dma_start3A_530 = tpu.memref_squeeze %dma_start3A_529 : memref<1x!tpu.dma_semaphore, #tpu.memory_space<semaphore_mem>> -> memref<!tpu.dma_semaphore, #tpu.memory_space<semaphore_mem>>
      %dma_start3A_531 = arith.constant 0 : i32
      %dma_start3A_532 = arith.constant 0 : i32
      %dma_start3A_533 = tpu.memref_slice %arg4[%select_n3A, %mul3A_139, %add3A, %dma_start3A_531, %dma_start3A_532] : memref<26x125x32x8x128xf32, #tpu.memory_space<hbm>> -> memref<1x25x1x8x128xf32, #tpu.memory_space<hbm>>
      %dma_start3A_534 = tpu.memref_squeeze %dma_start3A_533 : memref<1x25x1x8x128xf32, #tpu.memory_space<hbm>> -> memref<25x8x128xf32, #tpu.memory_space<hbm>>
      %dma_start3A_535 = arith.constant 0 : i32
      %dma_start3A_536 = arith.constant 0 : i32
      %dma_start3A_537 = arith.constant 0 : i32
      %dma_start3A_538 = tpu.memref_slice %arg7[%and3A_136, %dma_start3A_535, %dma_start3A_536, %dma_start3A_537] : memref<4x26x8x128xf32, #tpu.memory_space<vmem>> -> memref<1x25x8x128xf32, #tpu.memory_space<vmem>>
      %dma_start3A_539 = tpu.memref_squeeze %dma_start3A_538 : memref<1x25x8x128xf32, #tpu.memory_space<vmem>> -> memref<25x8x128xf32, #tpu.memory_space<vmem>>
      tpu.enqueue_dma source(%dma_start3A_539 : memref<25x8x128xf32, #tpu.memory_space<vmem>>) target(%dma_start3A_534 : memref<25x8x128xf32, #tpu.memory_space<hbm>>) target_semaphore(%dma_start3A_530 : memref<!tpu.dma_semaphore, #tpu.memory_space<semaphore_mem>>)
    }
    %scan3A_11 = arith.constant 130 : i32
    %dma_wait3A = arith.constant 0 : i32
    %dma_wait3A_12 = arith.constant 0 : i32
    %dma_wait3A_13 = arith.constant 0 : i32
    %dma_wait3A_14 = arith.constant 0 : i32
    %dma_wait3A_15 = arith.constant 0 : i32
    %dma_wait3A_16 = arith.constant 0 : i32
    %dma_wait3A_17 = arith.constant 0 : i32
    %dma_wait3A_18 = tpu.memref_slice %arg7[%dma_wait3A, %dma_wait3A_15, %dma_wait3A_16, %dma_wait3A_17] : memref<4x26x8x128xf32, #tpu.memory_space<vmem>> -> memref<1x25x8x128xf32, #tpu.memory_space<vmem>>
    %dma_wait3A_19 = tpu.memref_squeeze %dma_wait3A_18 : memref<1x25x8x128xf32, #tpu.memory_space<vmem>> -> memref<25x8x128xf32, #tpu.memory_space<vmem>>
    %dma_wait3A_20 = arith.constant 0 : i32
    %dma_wait3A_21 = arith.constant 0 : i32
    %dma_wait3A_22 = arith.constant 0 : i32
    %dma_wait3A_23 = tpu.memref_slice %arg4[%dma_wait3A_12, %dma_wait3A_20, %dma_wait3A_13, %dma_wait3A_21, %dma_wait3A_22] : memref<26x125x32x8x128xf32, #tpu.memory_space<hbm>> -> memref<1x25x1x8x128xf32, #tpu.memory_space<hbm>>
    %dma_wait3A_24 = tpu.memref_squeeze %dma_wait3A_23 : memref<1x25x1x8x128xf32, #tpu.memory_space<hbm>> -> memref<25x8x128xf32, #tpu.memory_space<hbm>>
    %dma_wait3A_25 = tpu.memref_slice %arg8[%dma_wait3A_14] : memref<4x!tpu.dma_semaphore, #tpu.memory_space<semaphore_mem>> -> memref<1x!tpu.dma_semaphore, #tpu.memory_space<semaphore_mem>>
    %dma_wait3A_26 = tpu.memref_squeeze %dma_wait3A_25 : memref<1x!tpu.dma_semaphore, #tpu.memory_space<semaphore_mem>> -> memref<!tpu.dma_semaphore, #tpu.memory_space<semaphore_mem>>
    %dma_wait3A_27 = arith.constant 0 : i32
    %dma_wait3A_28 = arith.constant 0 : i32
    %dma_wait3A_29 = arith.constant 0 : i32
    %dma_wait3A_30 = tpu.memref_slice %arg4[%dma_wait3A_12, %dma_wait3A_27, %dma_wait3A_13, %dma_wait3A_28, %dma_wait3A_29] : memref<26x125x32x8x128xf32, #tpu.memory_space<hbm>> -> memref<1x25x1x8x128xf32, #tpu.memory_space<hbm>>
    %dma_wait3A_31 = tpu.memref_squeeze %dma_wait3A_30 : memref<1x25x1x8x128xf32, #tpu.memory_space<hbm>> -> memref<25x8x128xf32, #tpu.memory_space<hbm>>
    %dma_wait3A_32 = arith.constant 0 : i32
    %dma_wait3A_33 = arith.constant 0 : i32
    %dma_wait3A_34 = arith.constant 0 : i32
    %dma_wait3A_35 = tpu.memref_slice %arg7[%dma_wait3A, %dma_wait3A_32, %dma_wait3A_33, %dma_wait3A_34] : memref<4x26x8x128xf32, #tpu.memory_space<vmem>> -> memref<1x25x8x128xf32, #tpu.memory_space<vmem>>
    %dma_wait3A_36 = tpu.memref_squeeze %dma_wait3A_35 : memref<1x25x8x128xf32, #tpu.memory_space<vmem>> -> memref<25x8x128xf32, #tpu.memory_space<vmem>>
    tpu.wait_dma2 semaphore(%dma_wait3A_26 : memref<!tpu.dma_semaphore, #tpu.memory_space<semaphore_mem>>) src(%dma_wait3A_36 : memref<25x8x128xf32, #tpu.memory_space<vmem>>) dst(%dma_wait3A_31 : memref<25x8x128xf32, #tpu.memory_space<hbm>>)
    %dma_wait3A_37 = arith.constant 1 : i32
    %dma_wait3A_38 = arith.constant 0 : i32
    %dma_wait3A_39 = arith.constant 0 : i32
    %dma_wait3A_40 = arith.constant 1 : i32
    %dma_wait3A_41 = arith.constant 0 : i32
    %dma_wait3A_42 = arith.constant 0 : i32
    %dma_wait3A_43 = arith.constant 0 : i32
    %dma_wait3A_44 = tpu.memref_slice %arg7[%dma_wait3A_37, %dma_wait3A_41, %dma_wait3A_42, %dma_wait3A_43] : memref<4x26x8x128xf32, #tpu.memory_space<vmem>> -> memref<1x25x8x128xf32, #tpu.memory_space<vmem>>
    %dma_wait3A_45 = tpu.memref_squeeze %dma_wait3A_44 : memref<1x25x8x128xf32, #tpu.memory_space<vmem>> -> memref<25x8x128xf32, #tpu.memory_space<vmem>>
    %dma_wait3A_46 = arith.constant 0 : i32
    %dma_wait3A_47 = arith.constant 0 : i32
    %dma_wait3A_48 = arith.constant 0 : i32
    %dma_wait3A_49 = tpu.memref_slice %arg4[%dma_wait3A_38, %dma_wait3A_46, %dma_wait3A_39, %dma_wait3A_47, %dma_wait3A_48] : memref<26x125x32x8x128xf32, #tpu.memory_space<hbm>> -> memref<1x25x1x8x128xf32, #tpu.memory_space<hbm>>
    %dma_wait3A_50 = tpu.memref_squeeze %dma_wait3A_49 : memref<1x25x1x8x128xf32, #tpu.memory_space<hbm>> -> memref<25x8x128xf32, #tpu.memory_space<hbm>>
    %dma_wait3A_51 = tpu.memref_slice %arg8[%dma_wait3A_40] : memref<4x!tpu.dma_semaphore, #tpu.memory_space<semaphore_mem>> -> memref<1x!tpu.dma_semaphore, #tpu.memory_space<semaphore_mem>>
    %dma_wait3A_52 = tpu.memref_squeeze %dma_wait3A_51 : memref<1x!tpu.dma_semaphore, #tpu.memory_space<semaphore_mem>> -> memref<!tpu.dma_semaphore, #tpu.memory_space<semaphore_mem>>
    %dma_wait3A_53 = arith.constant 0 : i32
    %dma_wait3A_54 = arith.constant 0 : i32
    %dma_wait3A_55 = arith.constant 0 : i32
    %dma_wait3A_56 = tpu.memref_slice %arg4[%dma_wait3A_38, %dma_wait3A_53, %dma_wait3A_39, %dma_wait3A_54, %dma_wait3A_55] : memref<26x125x32x8x128xf32, #tpu.memory_space<hbm>> -> memref<1x25x1x8x128xf32, #tpu.memory_space<hbm>>
    %dma_wait3A_57 = tpu.memref_squeeze %dma_wait3A_56 : memref<1x25x1x8x128xf32, #tpu.memory_space<hbm>> -> memref<25x8x128xf32, #tpu.memory_space<hbm>>
    %dma_wait3A_58 = arith.constant 0 : i32
    %dma_wait3A_59 = arith.constant 0 : i32
    %dma_wait3A_60 = arith.constant 0 : i32
    %dma_wait3A_61 = tpu.memref_slice %arg7[%dma_wait3A_37, %dma_wait3A_58, %dma_wait3A_59, %dma_wait3A_60] : memref<4x26x8x128xf32, #tpu.memory_space<vmem>> -> memref<1x25x8x128xf32, #tpu.memory_space<vmem>>
    %dma_wait3A_62 = tpu.memref_squeeze %dma_wait3A_61 : memref<1x25x8x128xf32, #tpu.memory_space<vmem>> -> memref<25x8x128xf32, #tpu.memory_space<vmem>>
    tpu.wait_dma2 semaphore(%dma_wait3A_52 : memref<!tpu.dma_semaphore, #tpu.memory_space<semaphore_mem>>) src(%dma_wait3A_62 : memref<25x8x128xf32, #tpu.memory_space<vmem>>) dst(%dma_wait3A_57 : memref<25x8x128xf32, #tpu.memory_space<hbm>>)
    %dma_wait3A_63 = arith.constant 2 : i32
    %dma_wait3A_64 = arith.constant 0 : i32
    %dma_wait3A_65 = arith.constant 0 : i32
    %dma_wait3A_66 = arith.constant 2 : i32
    %dma_wait3A_67 = arith.constant 0 : i32
    %dma_wait3A_68 = arith.constant 0 : i32
    %dma_wait3A_69 = arith.constant 0 : i32
    %dma_wait3A_70 = tpu.memref_slice %arg7[%dma_wait3A_63, %dma_wait3A_67, %dma_wait3A_68, %dma_wait3A_69] : memref<4x26x8x128xf32, #tpu.memory_space<vmem>> -> memref<1x25x8x128xf32, #tpu.memory_space<vmem>>
    %dma_wait3A_71 = tpu.memref_squeeze %dma_wait3A_70 : memref<1x25x8x128xf32, #tpu.memory_space<vmem>> -> memref<25x8x128xf32, #tpu.memory_space<vmem>>
    %dma_wait3A_72 = arith.constant 0 : i32
    %dma_wait3A_73 = arith.constant 0 : i32
    %dma_wait3A_74 = arith.constant 0 : i32
    %dma_wait3A_75 = tpu.memref_slice %arg4[%dma_wait3A_64, %dma_wait3A_72, %dma_wait3A_65, %dma_wait3A_73, %dma_wait3A_74] : memref<26x125x32x8x128xf32, #tpu.memory_space<hbm>> -> memref<1x25x1x8x128xf32, #tpu.memory_space<hbm>>
    %dma_wait3A_76 = tpu.memref_squeeze %dma_wait3A_75 : memref<1x25x1x8x128xf32, #tpu.memory_space<hbm>> -> memref<25x8x128xf32, #tpu.memory_space<hbm>>
    %dma_wait3A_77 = tpu.memref_slice %arg8[%dma_wait3A_66] : memref<4x!tpu.dma_semaphore, #tpu.memory_space<semaphore_mem>> -> memref<1x!tpu.dma_semaphore, #tpu.memory_space<semaphore_mem>>
    %dma_wait3A_78 = tpu.memref_squeeze %dma_wait3A_77 : memref<1x!tpu.dma_semaphore, #tpu.memory_space<semaphore_mem>> -> memref<!tpu.dma_semaphore, #tpu.memory_space<semaphore_mem>>
    %dma_wait3A_79 = arith.constant 0 : i32
    %dma_wait3A_80 = arith.constant 0 : i32
    %dma_wait3A_81 = arith.constant 0 : i32
    %dma_wait3A_82 = tpu.memref_slice %arg4[%dma_wait3A_64, %dma_wait3A_79, %dma_wait3A_65, %dma_wait3A_80, %dma_wait3A_81] : memref<26x125x32x8x128xf32, #tpu.memory_space<hbm>> -> memref<1x25x1x8x128xf32, #tpu.memory_space<hbm>>
    %dma_wait3A_83 = tpu.memref_squeeze %dma_wait3A_82 : memref<1x25x1x8x128xf32, #tpu.memory_space<hbm>> -> memref<25x8x128xf32, #tpu.memory_space<hbm>>
    %dma_wait3A_84 = arith.constant 0 : i32
    %dma_wait3A_85 = arith.constant 0 : i32
    %dma_wait3A_86 = arith.constant 0 : i32
    %dma_wait3A_87 = tpu.memref_slice %arg7[%dma_wait3A_63, %dma_wait3A_84, %dma_wait3A_85, %dma_wait3A_86] : memref<4x26x8x128xf32, #tpu.memory_space<vmem>> -> memref<1x25x8x128xf32, #tpu.memory_space<vmem>>
    %dma_wait3A_88 = tpu.memref_squeeze %dma_wait3A_87 : memref<1x25x8x128xf32, #tpu.memory_space<vmem>> -> memref<25x8x128xf32, #tpu.memory_space<vmem>>
    tpu.wait_dma2 semaphore(%dma_wait3A_78 : memref<!tpu.dma_semaphore, #tpu.memory_space<semaphore_mem>>) src(%dma_wait3A_88 : memref<25x8x128xf32, #tpu.memory_space<vmem>>) dst(%dma_wait3A_83 : memref<25x8x128xf32, #tpu.memory_space<hbm>>)
    %dma_wait3A_89 = arith.constant 3 : i32
    %dma_wait3A_90 = arith.constant 0 : i32
    %dma_wait3A_91 = arith.constant 0 : i32
    %dma_wait3A_92 = arith.constant 3 : i32
    %dma_wait3A_93 = arith.constant 0 : i32
    %dma_wait3A_94 = arith.constant 0 : i32
    %dma_wait3A_95 = arith.constant 0 : i32
    %dma_wait3A_96 = tpu.memref_slice %arg7[%dma_wait3A_89, %dma_wait3A_93, %dma_wait3A_94, %dma_wait3A_95] : memref<4x26x8x128xf32, #tpu.memory_space<vmem>> -> memref<1x25x8x128xf32, #tpu.memory_space<vmem>>
    %dma_wait3A_97 = tpu.memref_squeeze %dma_wait3A_96 : memref<1x25x8x128xf32, #tpu.memory_space<vmem>> -> memref<25x8x128xf32, #tpu.memory_space<vmem>>
    %dma_wait3A_98 = arith.constant 0 : i32
    %dma_wait3A_99 = arith.constant 0 : i32
    %dma_wait3A_100 = arith.constant 0 : i32
    %dma_wait3A_101 = tpu.memref_slice %arg4[%dma_wait3A_90, %dma_wait3A_98, %dma_wait3A_91, %dma_wait3A_99, %dma_wait3A_100] : memref<26x125x32x8x128xf32, #tpu.memory_space<hbm>> -> memref<1x25x1x8x128xf32, #tpu.memory_space<hbm>>
    %dma_wait3A_102 = tpu.memref_squeeze %dma_wait3A_101 : memref<1x25x1x8x128xf32, #tpu.memory_space<hbm>> -> memref<25x8x128xf32, #tpu.memory_space<hbm>>
    %dma_wait3A_103 = tpu.memref_slice %arg8[%dma_wait3A_92] : memref<4x!tpu.dma_semaphore, #tpu.memory_space<semaphore_mem>> -> memref<1x!tpu.dma_semaphore, #tpu.memory_space<semaphore_mem>>
    %dma_wait3A_104 = tpu.memref_squeeze %dma_wait3A_103 : memref<1x!tpu.dma_semaphore, #tpu.memory_space<semaphore_mem>> -> memref<!tpu.dma_semaphore, #tpu.memory_space<semaphore_mem>>
    %dma_wait3A_105 = arith.constant 0 : i32
    %dma_wait3A_106 = arith.constant 0 : i32
    %dma_wait3A_107 = arith.constant 0 : i32
    %dma_wait3A_108 = tpu.memref_slice %arg4[%dma_wait3A_90, %dma_wait3A_105, %dma_wait3A_91, %dma_wait3A_106, %dma_wait3A_107] : memref<26x125x32x8x128xf32, #tpu.memory_space<hbm>> -> memref<1x25x1x8x128xf32, #tpu.memory_space<hbm>>
    %dma_wait3A_109 = tpu.memref_squeeze %dma_wait3A_108 : memref<1x25x1x8x128xf32, #tpu.memory_space<hbm>> -> memref<25x8x128xf32, #tpu.memory_space<hbm>>
    %dma_wait3A_110 = arith.constant 0 : i32
    %dma_wait3A_111 = arith.constant 0 : i32
    %dma_wait3A_112 = arith.constant 0 : i32
    %dma_wait3A_113 = tpu.memref_slice %arg7[%dma_wait3A_89, %dma_wait3A_110, %dma_wait3A_111, %dma_wait3A_112] : memref<4x26x8x128xf32, #tpu.memory_space<vmem>> -> memref<1x25x8x128xf32, #tpu.memory_space<vmem>>
    %dma_wait3A_114 = tpu.memref_squeeze %dma_wait3A_113 : memref<1x25x8x128xf32, #tpu.memory_space<vmem>> -> memref<25x8x128xf32, #tpu.memory_space<vmem>>
    tpu.wait_dma2 semaphore(%dma_wait3A_104 : memref<!tpu.dma_semaphore, #tpu.memory_space<semaphore_mem>>) src(%dma_wait3A_114 : memref<25x8x128xf32, #tpu.memory_space<vmem>>) dst(%dma_wait3A_109 : memref<25x8x128xf32, #tpu.memory_space<hbm>>)
    return
  }
}

</mosaic_0001>

<sc_bundles>
// kernel: kernel.3.cloned.1.call-start
scs
__scs_entry_jumppad:
0x0: {  	(pc) =	sbr.rel $0x88, $3  }
0x1: {  	(tag) =	ssettag $0x0;
	lr =	simm.s32 $0x1  }
0x2: {  	[smem:$0x3FA0] =	sst lr;
	_ =	strace $0xD0000000  }
0x3: {  	_ = 	snop  }
0x4: {  	_ = 	snop  }
0x5: {  	_ = 	snop  }
0x6: {  	_ = 	snop  }
0x7: {  	_ = 	snop  }
__scs_overlays_trampoline_lowered:
0x8: {  	[smem:$0x3FAF] =	sst s0  }
0x9: {  	[smem:$0x3FB0] =	sst s1  }
0xa: {  	[smem:$0x3FB1] =	sst s2  }
0xb: {  	[smem:$0x3FB2] =	sst s3  }
0xc: {  	[smem:$0x3FB3] =	sst s4  }
0xd: {  	[smem:$0x3FB4] =	sst s5  }
0xe: {  	[smem:$0x3FB5] =	sst s6  }
0xf: {  	[smem:$0x3FB6] =	sst s7  }
0x10: {  	[smem:$0x3FB7] =	sst s8  }
0x11: {  	[smem:$0x3FB8] =	sst s9;
	s0 =	simm.s32 @!p0 $0x0  }
0x12: {  	s1 =	sld [smem:$0x3F9E];
	s0 =	simm.s32 @p0 $0x1  }
0x13: {  	[smem:$0x3FB9] =	sst s0;
	s0 =	simm.s32 @!p1 $0x0  }
0x14: {  	s2 =	sld [smem:$0x3F9D];
	s0 =	simm.s32 @p1 $0x1  }
0x15: {  	[smem:$0x3FBA] =	sst s0;
	s0 =	simm.s32 @!p2 $0x0  }
0x16: {  	s3 =	sld [smem:$0x3FDB];
	s0 =	simm.s32 @p2 $0x1  }
0x17: {  	s4 =	simm.s32 $0x1BF5;
	[smem:$0x3FBC] =	sst s0  }
0x18: {  	s0 =	sld [smem:$0x3F9F];
	_ =	swait.ge [sflag:s4], $0x0  }
0x19: {  	s7 =	sld [smem:$0x3FA0]  }
0x1a: {  	s8 =	sadd.s32 $0xFFFFE003, lr  }
0x1b: {  	s9 =	sadd.s32 $0xFFFFFEF7, lr;
	s5 =	simm.s32 $0xFFFFFFFF;
	p2 =	slt.u32 s8, $0xFFFFF086  }
0x1c: {  	p1 =	slt.u32 s9, $0xF7A;
	s5 =	simm.s32 @!p2 $0x0  }
0x1d: {  	s5 =	simm.s32 @p1 $0x1;
	p0 =	seq.s32 s7, s2  }
0x1e: {  	s7 =	smul.u32 @!p0 $0xF7A, s2;
	p2 =	seq.s32 @!p0 s5, $0x0  }
0x1f: {  	s9 =	smul.u32 $0xF7A, s1;
	s8 =	simm.s32 @!p0 $0x1BF5;
	p2 =	por !p2, p0  }
0x20: {  	[sflag:s8] =	ssyncset.s32 @!p0 $0xFFFFF086;
	s6 =	sadd.s32 @!p0 s3, s7;
	s7 =	simm.s32 @!p0 $0x108  }
0x21: {  	s3 =	sadd.s32 s3, s9;
	s6 =	sadd.s32 @!p0 $0x88, s6;
	s7 =	simm.s32 @p2 $0x1082  }
0x22: {  	[simem:s7], [sflag:s8] =	dma.local @!p0 [hbm:s6], $0xF7A  }
0x23: {  	s9 =	sor.u32 $0xD0000000, s2;
	s6 =	simm.s32 $0x108;
	_ =	swait.ge @!p0 [sflag:s8], $0x0  }
0x24: {  	s3 =	sadd.s32 $0x88, s3;
	s6 =	simm.s32 @!p1 $0x1082;
	[sflag:s4] =	ssyncset.s32 $0xFFFFF086  }
0x25: {  	[simem:s6], [sflag:s4] =	dma.local [hbm:s3], $0xF7A  }
0x26: {  	[smem:$0x3FA0] =	sst s1;
	(tag) =	ssettag s2;
	_ =	strace s9  }
0x27: {  	s1 =	sld [smem:$0x3FB0]  }
0x28: {  	s2 =	sld [smem:$0x3FB1]  }
0x29: {  	s4 =	sld [smem:$0x3FB3]  }
0x2a: {  	p0 =	seq.s32 s5, $0x0;
	s5 =	sld [smem:$0x3FB4]  }
0x2b: {  	s6 =	sld [smem:$0x3FB5]  }
0x2c: {  	s7 =	sld [smem:$0x3FB6]  }
0x2d: {  	s3 =	simm.s32 $0x108;
	s8 =	sld [smem:$0x3FB7]  }
0x2e: {  	s3 =	simm.s32 @!p0 $0x1082;
	s9 =	sld [smem:$0x3FB8]  }
0x2f: {  	lr =	sadd.s32 s0, s3;
	s0 =	sld [smem:$0x3FAF]  }
0x30: {  	s3 =	sld [smem:$0x3FB2]  }
0x31: {  	[smem:$0x3FBB] =	sst s10  }
0x32: {  	s10 =	sld [smem:$0x3FB9];
	_ =	sdelay $0x3  }
0x33: {  	p0 =	seq.s32 s10, $0x1;
	s10 =	sld [smem:$0x3FBB];
	_ =	sdelay $0x3  }
0x34: {  	[smem:$0x3FBB] =	sst s10  }
0x35: {  	s10 =	sld [smem:$0x3FBA];
	_ =	sdelay $0x3  }
0x36: {  	p1 =	seq.s32 s10, $0x1;
	s10 =	sld [smem:$0x3FBB];
	_ =	sdelay $0x3  }
0x37: {  	[smem:$0x3FBB] =	sst s10  }
0x38: {  	s10 =	sld [smem:$0x3FBC]  }
0x39: {  	_ = 	snop;
	(pc) =	sbr.ind lr, $3  }
0x3a: {  	_ = 	snop  }
0x3b: {  	_ = 	snop  }
0x3c: {  	p2 =	seq.s32 s10, $0x1;
	s10 =	sld [smem:$0x3FBB]  }
0x3d: {  	_ =	shalt  }
0x3e: {  	_ =	shalt  }
0x3f: {  	_ =	shalt  }
0x40: {  	_ =	shalt  }
0x41: {  	_ =	shalt  }
0x42: {  	_ =	shalt  }
0x43: {  	_ =	shalt  }
0x44: {  	_ =	shalt  }
0x45: {  	_ =	shalt  }
0x46: {  	_ =	shalt  }
0x47: {  	_ =	shalt  }
0x48: {  	_ =	shalt  }
0x49: {  	_ =	shalt  }
0x4a: {  	_ =	shalt  }
0x4b: {  	_ =	shalt  }
0x4c: {  	_ =	shalt  }
0x4d: {  	_ =	shalt  }
0x4e: {  	_ =	shalt  }
0x4f: {  	_ =	shalt  }
0x50: {  	_ =	shalt  }
0x51: {  	_ =	shalt  }
0x52: {  	_ =	shalt  }
0x53: {  	_ =	shalt  }
0x54: {  	_ =	shalt  }
0x55: {  	_ =	shalt  }
0x56: {  	_ =	shalt  }
0x57: {  	_ =	shalt  }
0x58: {  	_ =	shalt  }
0x59: {  	_ =	shalt  }
0x5a: {  	_ =	shalt  }
0x5b: {  	_ =	shalt  }
0x5c: {  	_ =	shalt  }
0x5d: {  	_ =	shalt  }
0x5e: {  	_ =	shalt  }
0x5f: {  	_ =	shalt  }
0x60: {  	_ =	shalt  }
0x61: {  	_ =	shalt  }
0x62: {  	_ =	shalt  }
0x63: {  	_ =	shalt  }
0x64: {  	_ =	shalt  }
0x65: {  	_ =	shalt  }
0x66: {  	_ =	shalt  }
0x67: {  	_ =	shalt  }
0x68: {  	_ =	shalt  }
0x69: {  	_ =	shalt  }
0x6a: {  	_ =	shalt  }
0x6b: {  	_ =	shalt  }
0x6c: {  	_ =	shalt  }
0x6d: {  	_ =	shalt  }
0x6e: {  	_ =	shalt  }
0x6f: {  	_ =	shalt  }
0x70: {  	_ =	shalt  }
0x71: {  	_ =	shalt  }
0x72: {  	_ =	shalt  }
0x73: {  	_ =	shalt  }
0x74: {  	_ =	shalt  }
0x75: {  	_ =	shalt  }
0x76: {  	_ =	shalt  }
0x77: {  	_ =	shalt  }
0x78: {  	_ =	shalt  }
0x79: {  	_ =	shalt  }
0x7a: {  	_ =	shalt  }
0x7b: {  	_ =	shalt  }
0x7c: {  	_ =	shalt  }
0x7d: {  	_ =	shalt  }
0x7e: {  	_ =	shalt  }
0x7f: {  	_ =	shalt  }
0x80: {  	_ =	shalt  }
0x81: {  	_ =	shalt  }
0x82: {  	_ =	shalt  }
0x83: {  	_ =	shalt  }
0x84: {  	_ =	shalt  }
0x85: {  	_ =	shalt  }
0x86: {  	_ =	shalt  }
0x87: {  	_ =	shalt  }
.Lfunc_end0:
.L_simem_size_0:
called_computation_lowered:
.L_overlay_start_0:
0x88: {  	s2 =	sld [smem:$0x3FD9]  }
0x89: {  	s3 =	sld [smem:$0x3FFE];
	_ =	sdelay $0x1  }
0x8a: {  	s1 =	srdreg.scid  }
0x8b: {  	s0 =	sand.u32 $0x1, s1  }
0x8c: {  	s17 =	sshll.u32 s0, $0xA;
	s2 =	sadd.s32 s3, s2  }
0x8d: {  	s2 =	sadd.s32 s2, s17  }
0x8e: {  	[smem:$0x3FC7] =	sst s2  }
0x8f: {  	_ = 	snop  }
0x90: {  	s2 =	sld [smem:$0x3FD0];
	(tm) =	ssettm $0x1  }
0x91: {  	s18 =	sld [smem:$0x3FFB];
	_ =	sdelay $0x3  }
0x92: {  	_ =	strace s18  }
0x93: {  	s3 =	sld [smem:$0x3FFC];
	_ =	sdelay $0x3  }
0x94: {  	_ =	strace s3  }
0x95: {  	s3 =	sld [smem:$0x3FFD];
	_ =	sdelay $0x3  }
0x96: {  	_ =	strace s3  }
0x97: {  	_ =	strace $0x8FFFFFFF  }
0x98: {  	s19 =	sld [smem:$0x3FDB];
	_ =	sdelay $0x1  }
0x99: {  	s4 =	simm.s32 $_scs_section_size  }
0x9a: {  	s5 =	simm.s32 $_size__tile_overlayer_lowered;
	s6 =	simm.s32 $_tile_overlayer_lowered  }
0x9b: {  	s22 =	simm.s32 $0x1BFF;
	s21 =	sshll.u32 s6, $0x1;
	s3 =	sadd.s32 s4, s19  }
0x9c: {  	s7 =	simm.s32 $0x0;
	s20 =	sshll.u32 s5, $0x1;
	s5 =	sadd.s32 s21, s3  }
0x9d: {  	[timem:s7], [sflag:s22] =	dma.local [hbm:s5], s20  }
0x9e: {  	_ =	swait.ge [sflag:s22], s20  }
0x9f: {  	s4 =	ssub.s32 $0x0, s20;
	[sflag:s22] =	ssyncset.done $0x0  }
0xa0: {  	[sflag:s22] =	ssyncadd.s32 s4;
	_ =	sdelay $0x1  }
0xa1: {  	s23 =	simm.s32 $0x1B8B  }
0xa2: {  	_ =	swait.ge [sflag:s23], $0x1  }
0xa3: {  	[sflag:s23] =	ssyncset.done $0x0  }
0xa4: {  	s25 =	simm.s32 $0x1B8E;
	s24 =	sld [smem:$0x3FFE];
	[sflag:s23] =	ssyncadd.s32 $0xFFFFFFFF  }
0xa5: {  	s26 =	simm.s32 $execute0_lowered;
	[smem:$0x3FD2] =	sst s25  }
0xa6: {  	s5 =	sshll.u32 s26, $0x1;
	_ =	strace $0x80000046;
	[dreg:$0x1] =	wrdreg $0xFFFFFFFF  }
0xa7: {  	s28 =	simm.s32 $_size_execute0_lowered;
	s3 =	sadd.s32 s3, s5;
	[dreg:$0x0] =	wrdreg $0x0  }
0xa8: {  	s5 =	sshll.u32 s28, $0x1;
	[dreg:$0x2] =	wrdreg s3  }
0xa9: {  	[dreg:$0x3] =	wrdreg s5  }
0xaa: {  	[dreg:$0x4] =	wrdreg $0xC0  }
0xab: {  	_ =	task [dreg:s7], $0x5FFFF  }
0xac: {  	[dreg:$0x1] =	wrdreg $0xFFFFFFFF  }
0xad: {  	[dreg:$0x0] =	wrdreg $0x60  }
0xae: {  	[dreg:$0x2] =	wrdreg s24  }
0xaf: {  	[dreg:$0x3] =	wrdreg s2  }
0xb0: {  	[dreg:$0x4] =	wrdreg $0x9  }
0xb1: {  	_ =	task.clear_ibuf [dreg:s7], $0x5FFFF;
	_ =	strace $0x90000046  }
0xb2: {  	s29 =	simm.s32 $0x9;
	_ =	strace $0x80000048  }
0xb3: {  	_ =	swait.ge [sflag:s29], $0x1  }
0xb4: {  	[sflag:s29] =	ssyncadd.s32 $0xFFFFFFFF  }
0xb5: {  	_ =	strace $0x90000048  }
0xb6: {  	_ =	sfence  }
0xb7: {  	s30 =	sld [smem:$0x0];
	_ =	sdelay $0x2  }
0xb8: {  	s31 =	sshll.u32 s1, $0xD;
	s1 =	sshrl.u32 s1, $0x2  }
0xb9: {  	s3 =	sand.u32 $0x4000, s31;
	s1 =	sadd.s32 s1, s30  }
0xba: {  	s0 =	sor.u32 s3, s0;
	s1 =	sshll.u32 s1, $0x11  }
0xbb: {  	s0 =	sor.u32 s1, s0  }
0xbc: {  	s0 =	sadd.s32 $0x8F2B, s0  }
0xbd: {  	[sflag:s0] =	ssyncadd.remote.s32 $0x1  }
0xbe: {  	_ =	sfence.sel $0xFFFF  }
0xbf: {  	[dreg:$0x0] =	wrdreg $0xFFFFFFFF;
	(pc) =	sbr.abs _section_cstart, $3  }
0xc0: {  	[dreg:$0x1] =	wrdreg $0xFFFFFFFF  }
0xc1: {  	_ =	task.clear_ibuf [dreg:s7], $0x2FFFF;
	_ =	strace $0x9FFFFFFF  }
0xc2: {  	(tm) =	ssettm $0x7FFFFFFF  }
0xc3: {  	_ =	shalt  }
tec
execute0_lowered:
.L_overlay_start_1:
0x0: {  	(tag) =	ssettag $0x1  }
0x1: {  	s3 =	rddreg [dreg:$0x0]  }
0x2: {  	s6 =	rddreg [dreg:$0x1]  }
0x3: {  	s0 =	rddreg [dreg:$0x2];
	s2 =	simm.s32 $0x0;
	s1 =	stileid.u32  }
0x4: {  	s5 =	srdreg.scid;
	s11 =	simm.s32 $0x14A00;
	s12 =	simm.s32 $0x80  }
0x5: {  	s13 =	simm.s32 $0x1000;
	s14 =	simm.s32 $0x400;
	s15 =	simm.s32 $0x8000  }
0x6: {  	s16 =	simm.s32 $0x1;
	s17 =	simm.s32 $0x2;
	s18 =	simm.s32 $0x3  }
0x7: {  	s19 =	simm.s32 $0x4;
	s20 =	simm.s32 $0x0;
	[smem:$0x7FF] =	sst s2  }
0x8: {  	s4 =	sshll.u32 s1, $0x4;
	s8 =	sand.u32 $0x1, s5;
	s5 =	sshll.u32 s5, $0x8  }
0x9: {  	s30 =	sshll.u32 s1, $0xA;
	_ =	strace $0x80000047;
	s7 =	sand.u32 $0x70, s4  }
0xa: {  	s9 =	ssub.s32 $0x2, s8;
	s4 =	sor.u32 s4, s5;
	s29 =	sshll.u32 s8, $0xE  }
0xb: {  	s8 =	simm.s32 $0x5;
	s7 =	sadd.s32 s7, s3;
	s3 =	sadd.s32 $0x3800, s3  }
0xc: {  	v0 =	vlaneseq.u32;
	s10 =	sshrl.u32 s9, $0x1;
	s4 =	sand.u32 $0x180, s4;
	s31 =	sor.u32 s30, s29  }
0xd: {  	v2 =	vimm.f32 $1.000000000e+00;
	v1 =	vor.u32 $0x6400, v0;
	v3 =	vor.u32 $0x10, v0;
	s9 =	ssub.s32 s9, s10;
	s4 =	sadd.s32 s4, s7;
	s7 =	sshrl.u32 s31, $0x3  }
0xe: {  	v4 =	vor.u32 $0x20, v0;
	v5 =	vor.u32 $0x30, v0;
	v6 =	vor.u32 $0x40, v0;
	s10 =	simm.s32 $0xE200;
	s4 =	sadd.s32 $0x400, s4;
	s5 =	smax.u32 s9, $0x1  }
0xf: {  	v7 =	vor.u32 $0x50, v0;
	v8 =	vor.u32 $0x60, v0;
	v9 =	vor.u32 $0x70, v0;
	s6 =	sadd.s32 s7, s6;
	s7 =	simm.s32 $0x1200;
	s9 =	simm.s32 $0x7A00  }
.LBB2_1:
0x10: {  	[tilespmem:s7], [sflag:$0x5] =	stream.linear.gather [hbm4b:s3+s2], $0x6400, $0x38;
	[tilespmem:$0x1B200] =	vst v63  }
0x11: {  	_ =	swait.ge [sflag:s8], $0x6400  }
0x12: {  	[sflag:s8] =	ssyncset.done $0x0  }
0x13: {  	[sflag:s8] =	ssyncadd.s32 $0xFFFF9C00  }
0x14: {  	[tilespmem:s9], [sflag:$0x5] =	stream.linear.gather [hbm4b:s3+s2], $0x6400, $0x38;
	[tilespmem:$0x1B200] =	vst v63  }
0x15: {  	_ =	swait.ge [sflag:s8], $0x6400  }
0x16: {  	[sflag:s8] =	ssyncset.done $0x0  }
0x17: {  	[sflag:s8] =	ssyncadd.s32 $0xFFFF9C00  }
0x18: {  	[tilespmem:s10], [sflag:$0x5] =	stream.linear.gather [hbm4b:s3+s2], $0x6400, $0x38;
	[tilespmem:$0x1B200] =	vst v63  }
0x19: {  	_ =	swait.ge [sflag:s8], $0x6400  }
0x1a: {  	[sflag:s8] =	ssyncset.done $0x0  }
0x1b: {  	[sflag:s8] =	ssyncadd.s32 $0xFFFF9C00  }
0x1c: {  	[tilespmem:s11], [sflag:$0x5] =	stream.linear.gather [hbm4b:s3+s2], $0x6400, $0x38;
	[tilespmem:$0x1B200] =	vst v63  }
0x1d: {  	_ =	swait.ge [sflag:s8], $0x6400  }
0x1e: {  	[sflag:s8] =	ssyncset.done $0x0  }
0x1f: {  	[sflag:s8] =	ssyncadd.s32 $0xFFFF9C00  }
0x20: {  	[tilespmem:s2], [sflag:$0x5] =	stream.strided.gather [hbm4b:s4+s12], $0xD00, s13, s12, $0x38;
	[tilespmem:$0x1B200] =	vst v63  }
0x21: {  	_ =	swait.ge [sflag:s8], $0xD00  }
0x22: {  	s21 =	simm.s32 $0x0;
	s22 =	smov.u32 s6;
	[sflag:s8] =	ssyncset.done $0x0  }
0x23: {  	s23 =	simm.s32 $0x0;
	s24 =	simm.s32 $0x0;
	[sflag:s8] =	ssyncadd.s32 $0xFFFFF300  }
.LBB2_2:
0x24: {  	s25 =	sand.u32 $0x3, s24;
	p0 =	sgt.u32 s24, $0x3  }
0x25: {  	s26 =	sadd.s32 @p0 $0x1, s25  }
0x26: {  	_ =	swait.ge @p0 [sflag:s26], $0x6400  }
0x27: {  	s30 =	sshll.u32 @p0 s25, $0x9;
	[sflag:s26] =	ssyncset.done @p0 $0x0  }
0x28: {  	[sflag:s26] =	ssyncadd.s32 @p0 $0xFFFF9C00;
	s26 =	sshrl.u32 @p0 s30, $0x2  }
0x29: {  	v10 =	vld @p0 [tilespmem:s26+$0x1000];
	_ =	sdelay $0x2  }
0x2a: {  	v11 =	vmov s25  }
0x2b: {  	v12 =	vmul.u32 @p0 $0x6800, v11  }
0x2c: {  	v13 =	vand.u32 @p0 $0xFFFFFC00, v10  }
0x2d: {  	v10 =	vand.u32 @p0 $0x3FF, v10;
	v13 =	vadd.s32 @p0 v12, v13  }
0x2e: {  	v10 =	vor.u32 @p0 v10, v13;
	_ =	sdelay $0x3  }
0x2f: {  	s28 =	simm.s32 @p0 $0x1200;
	v13 =	vimm.f32 @p0 $0.0e+00  }
0x30: {  	[tilespmem:v10+s28+$0x0] =	vst.idx.msk @p0 $0xffff, v13  }
0x31: {  	v10 =	vld @p0 [tilespmem:s26+$0x1010];
	_ =	sdelay $0x4  }
0x32: {  	v14 =	vand.u32 @p0 $0xFFFFFC00, v10  }
0x33: {  	v10 =	vand.u32 @p0 $0x3FF, v10;
	v14 =	vadd.s32 @p0 v12, v14  }
0x34: {  	v10 =	vor.u32 @p0 v10, v14;
	_ =	sdelay $0x4  }
0x35: {  	[tilespmem:v10+s28+$0x0] =	vst.idx.msk @p0 $0xffff, v13  }
0x36: {  	v10 =	vld @p0 [tilespmem:s26+$0x1020];
	_ =	sdelay $0x4  }
0x37: {  	v14 =	vand.u32 @p0 $0xFFFFFC00, v10  }
0x38: {  	v10 =	vand.u32 @p0 $0x3FF, v10;
	v14 =	vadd.s32 @p0 v12, v14  }
0x39: {  	v10 =	vor.u32 @p0 v10, v14;
	_ =	sdelay $0x4  }
0x3a: {  	[tilespmem:v10+s28+$0x0] =	vst.idx.msk @p0 $0xffff, v13  }
0x3b: {  	v10 =	vld @p0 [tilespmem:s26+$0x1030];
	_ =	sdelay $0x4  }
0x3c: {  	v14 =	vand.u32 @p0 $0xFFFFFC00, v10  }
0x3d: {  	v10 =	vand.u32 @p0 $0x3FF, v10;
	v14 =	vadd.s32 @p0 v12, v14  }
0x3e: {  	v10 =	vor.u32 @p0 v10, v14;
	_ =	sdelay $0x4  }
0x3f: {  	[tilespmem:v10+s28+$0x0] =	vst.idx.msk @p0 $0xffff, v13  }
0x40: {  	v10 =	vld @p0 [tilespmem:s26+$0x1040];
	_ =	sdelay $0x4  }
0x41: {  	v14 =	vand.u32 @p0 $0xFFFFFC00, v10  }
0x42: {  	v10 =	vand.u32 @p0 $0x3FF, v10;
	v14 =	vadd.s32 @p0 v12, v14  }
0x43: {  	v10 =	vor.u32 @p0 v10, v14;
	_ =	sdelay $0x4  }
0x44: {  	[tilespmem:v10+s28+$0x0] =	vst.idx.msk @p0 $0xffff, v13  }
0x45: {  	v10 =	vld @p0 [tilespmem:s26+$0x1050];
	_ =	sdelay $0x4  }
0x46: {  	v14 =	vand.u32 @p0 $0xFFFFFC00, v10  }
0x47: {  	v10 =	vand.u32 @p0 $0x3FF, v10;
	v14 =	vadd.s32 @p0 v12, v14  }
0x48: {  	v10 =	vor.u32 @p0 v10, v14;
	_ =	sdelay $0x4  }
0x49: {  	[tilespmem:v10+s28+$0x0] =	vst.idx.msk @p0 $0xffff, v13  }
0x4a: {  	v10 =	vld @p0 [tilespmem:s26+$0x1060];
	_ =	sdelay $0x4  }
0x4b: {  	v14 =	vand.u32 @p0 $0xFFFFFC00, v10  }
0x4c: {  	v10 =	vand.u32 @p0 $0x3FF, v10;
	v14 =	vadd.s32 @p0 v12, v14  }
0x4d: {  	v10 =	vor.u32 @p0 v10, v14;
	_ =	sdelay $0x4  }
0x4e: {  	[tilespmem:v10+s28+$0x0] =	vst.idx.msk @p0 $0xffff, v13  }
0x4f: {  	v10 =	vld @p0 [tilespmem:s26+$0x1070];
	_ =	sdelay $0x4  }
0x50: {  	v14 =	vand.u32 @p0 $0xFFFFFC00, v10  }
0x51: {  	v10 =	vand.u32 @p0 $0x3FF, v10;
	v14 =	vadd.s32 @p0 v12, v14  }
0x52: {  	v10 =	vor.u32 @p0 v10, v14  }
0x53: {  	s31 =	smul.u32 $0xCD, s24;
	_ =	sdelay $0x1  }
0x54: {  	s26 =	sshrl.u32 s31, $0xA  }
0x55: {  	s26 =	sand.u32 $0x3F, s26  }
0x56: {  	s29 =	smulhi.u32 $0xCCCCCCCD, s24;
	[tilespmem:v10+s28+$0x0] =	vst.idx.msk @p0 $0xffff, v13;
	s28 =	sshll.u32 s26, $0x7  }
0x57: {  	v13 =	vld [tilespmem:s28+$0x0]  }
0x58: {  	s29 =	sshrl.u32 s29, $0x2  }
0x59: {  	s26 =	smul.u32 $0x7D, s29;
	_ =	sdelay $0x1  }
0x5a: {  	s26 =	ssub.s32 s21, s26  }
0x5b: {  	v10 =	vmov s26;
	v34 =	vshra.s32 v13, $0x3  }
0x5c: {  	v13 =	vshll.u32 v13, $0x7;
	v15 =	vsub.s32 v34, v10  }
0x5d: {  	s29 =	sadd.s32 $0x19, s26;
	v13 =	vand.u32 $0x380, v13;
	v15 =	vshll.u32 v15, $0xA  }
0x5e: {  	vm0 =	vge.s32 v34, s26;
	vm1 =	vlt.s32 v34, s29;
	v13 =	vor.u32 v13, v15  }
0x5f: {  	v11 =	vmul.u32 @!p0 $0x6800, v11;
	vm0 =	vmand vm0, vm1;
	v13 =	vor.u32 v0, v13  }
0x60: {  	v13 =	vsel vm0, v13, v1  }
0x61: {  	v11 =	vpsel p0, v12, v11;
	v35 =	vand.u32 $0xFFFFFC00, v13  }
0x62: {  	v36 =	vand.u32 $0x38F, v13;
	v12 =	vadd.s32 v11, v35  }
0x63: {  	v12 =	vor.u32 v36, v12  }
0x64: {  	s31 =	smov.u32 s23  }
0x65: {  	s31 =	smov.u32 @p0 s30  }
0x66: {  	s30 =	sshra.s32 s31, $0x2  }
0x67: {  	[tilespmem:s30+$0x1000] =	vst v13  }
0x68: {  	[tilespmem:v12+s7+$0x0] =	vst.idx.msk $0xffff, v2  }
0x69: {  	v12 =	vld [tilespmem:s28+$0x10];
	_ =	sdelay $0x4  }
0x6a: {  	v37 =	vshra.s32 v12, $0x3  }
0x6b: {  	v12 =	vshll.u32 v12, $0x7;
	v38 =	vsub.s32 v37, v10  }
0x6c: {  	v12 =	vand.u32 $0x380, v12;
	v14 =	vshll.u32 v38, $0xA  }
0x6d: {  	vm14 =	vge.s32 v37, s26;
	vm15 =	vlt.s32 v37, s29;
	v12 =	vor.u32 v12, v14  }
0x6e: {  	vm0 =	vmand vm14, vm15;
	v12 =	vor.u32 v3, v12  }
0x6f: {  	v12 =	vsel vm0, v12, v1  }
0x70: {  	v39 =	vand.u32 $0xFFFFFC00, v12  }
0x71: {  	v40 =	vand.u32 $0x39F, v12;
	v13 =	vadd.s32 v11, v39  }
0x72: {  	v13 =	vor.u32 v40, v13;
	_ =	sdelay $0x3  }
0x73: {  	[tilespmem:s30+$0x1010] =	vst v12  }
0x74: {  	[tilespmem:v13+s7+$0x0] =	vst.idx.msk $0xffff, v2  }
0x75: {  	v12 =	vld [tilespmem:s28+$0x20];
	_ =	sdelay $0x4  }
0x76: {  	v41 =	vshra.s32 v12, $0x3  }
0x77: {  	v12 =	vshll.u32 v12, $0x7;
	v42 =	vsub.s32 v41, v10  }
0x78: {  	v12 =	vand.u32 $0x380, v12;
	v14 =	vshll.u32 v42, $0xA  }
0x79: {  	vm4 =	vge.s32 v41, s26;
	vm5 =	vlt.s32 v41, s29;
	v12 =	vor.u32 v12, v14  }
0x7a: {  	vm0 =	vmand vm4, vm5;
	v12 =	vor.u32 v4, v12  }
0x7b: {  	v12 =	vsel vm0, v12, v1  }
0x7c: {  	v43 =	vand.u32 $0xFFFFFC00, v12  }
0x7d: {  	v44 =	vand.u32 $0x3AF, v12;
	v13 =	vadd.s32 v11, v43  }
0x7e: {  	v13 =	vor.u32 v44, v13;
	_ =	sdelay $0x3  }
0x7f: {  	[tilespmem:s30+$0x1020] =	vst v12  }
0x80: {  	[tilespmem:v13+s7+$0x0] =	vst.idx.msk $0xffff, v2  }
0x81: {  	v12 =	vld [tilespmem:s28+$0x30];
	_ =	sdelay $0x4  }
0x82: {  	v45 =	vshra.s32 v12, $0x3  }
0x83: {  	v12 =	vshll.u32 v12, $0x7;
	v46 =	vsub.s32 v45, v10  }
0x84: {  	v12 =	vand.u32 $0x380, v12;
	v14 =	vshll.u32 v46, $0xA  }
0x85: {  	vm6 =	vge.s32 v45, s26;
	vm7 =	vlt.s32 v45, s29;
	v12 =	vor.u32 v12, v14  }
0x86: {  	vm0 =	vmand vm6, vm7;
	v12 =	vor.u32 v5, v12  }
0x87: {  	v12 =	vsel vm0, v12, v1  }
0x88: {  	v47 =	vand.u32 $0xFFFFFC00, v12  }
0x89: {  	v48 =	vand.u32 $0x3BF, v12;
	v13 =	vadd.s32 v11, v47  }
0x8a: {  	v13 =	vor.u32 v48, v13;
	_ =	sdelay $0x3  }
0x8b: {  	[tilespmem:s30+$0x1030] =	vst v12  }
0x8c: {  	[tilespmem:v13+s7+$0x0] =	vst.idx.msk $0xffff, v2  }
0x8d: {  	v12 =	vld [tilespmem:s28+$0x40];
	_ =	sdelay $0x4  }
0x8e: {  	v49 =	vshra.s32 v12, $0x3  }
0x8f: {  	v12 =	vshll.u32 v12, $0x7;
	v50 =	vsub.s32 v49, v10  }
0x90: {  	v12 =	vand.u32 $0x380, v12;
	v14 =	vshll.u32 v50, $0xA  }
0x91: {  	vm8 =	vge.s32 v49, s26;
	vm9 =	vlt.s32 v49, s29;
	v12 =	vor.u32 v12, v14  }
0x92: {  	vm0 =	vmand vm8, vm9;
	v12 =	vor.u32 v6, v12  }
0x93: {  	v12 =	vsel vm0, v12, v1  }
0x94: {  	v51 =	vand.u32 $0xFFFFFC00, v12  }
0x95: {  	v52 =	vand.u32 $0x3CF, v12;
	v13 =	vadd.s32 v11, v51  }
0x96: {  	v13 =	vor.u32 v52, v13;
	_ =	sdelay $0x3  }
0x97: {  	[tilespmem:s30+$0x1040] =	vst v12  }
0x98: {  	[tilespmem:v13+s7+$0x0] =	vst.idx.msk $0xffff, v2  }
0x99: {  	v12 =	vld [tilespmem:s28+$0x50];
	_ =	sdelay $0x4  }
0x9a: {  	v53 =	vshra.s32 v12, $0x3  }
0x9b: {  	v12 =	vshll.u32 v12, $0x7;
	v54 =	vsub.s32 v53, v10  }
0x9c: {  	v12 =	vand.u32 $0x380, v12;
	v14 =	vshll.u32 v54, $0xA  }
0x9d: {  	vm10 =	vge.s32 v53, s26;
	vm11 =	vlt.s32 v53, s29;
	v12 =	vor.u32 v12, v14  }
0x9e: {  	vm0 =	vmand vm10, vm11;
	v12 =	vor.u32 v7, v12  }
0x9f: {  	v12 =	vsel vm0, v12, v1  }
0xa0: {  	v55 =	vand.u32 $0xFFFFFC00, v12  }
0xa1: {  	v56 =	vand.u32 $0x3DF, v12;
	v13 =	vadd.s32 v11, v55  }
0xa2: {  	v13 =	vor.u32 v56, v13;
	_ =	sdelay $0x3  }
0xa3: {  	[tilespmem:s30+$0x1050] =	vst v12  }
0xa4: {  	[tilespmem:v13+s7+$0x0] =	vst.idx.msk $0xffff, v2  }
0xa5: {  	v12 =	vld [tilespmem:s28+$0x60];
	_ =	sdelay $0x4  }
0xa6: {  	v57 =	vshra.s32 v12, $0x3  }
0xa7: {  	v12 =	vshll.u32 v12, $0x7;
	v58 =	vsub.s32 v57, v10  }
0xa8: {  	v12 =	vand.u32 $0x380, v12;
	v14 =	vshll.u32 v58, $0xA  }
0xa9: {  	vm12 =	vge.s32 v57, s26;
	vm13 =	vlt.s32 v57, s29;
	v12 =	vor.u32 v12, v14  }
0xaa: {  	vm0 =	vmand vm12, vm13;
	v12 =	vor.u32 v8, v12  }
0xab: {  	v12 =	vsel vm0, v12, v1  }
0xac: {  	v59 =	vand.u32 $0xFFFFFC00, v12  }
0xad: {  	v60 =	vand.u32 $0x3EF, v12;
	v13 =	vadd.s32 v11, v59  }
0xae: {  	v13 =	vor.u32 v60, v13;
	_ =	sdelay $0x3  }
0xaf: {  	[tilespmem:s30+$0x1060] =	vst v12  }
0xb0: {  	[tilespmem:v13+s7+$0x0] =	vst.idx.msk $0xffff, v2  }
0xb1: {  	v12 =	vld [tilespmem:s28+$0x70];
	_ =	sdelay $0x4  }
0xb2: {  	v61 =	vshra.s32 v12, $0x3  }
0xb3: {  	v12 =	vshll.u32 v12, $0x7;
	v10 =	vsub.s32 v61, v10  }
0xb4: {  	v12 =	vand.u32 $0x380, v12;
	v10 =	vshll.u32 v10, $0xA  }
0xb5: {  	vm14 =	vge.s32 v61, s26;
	vm15 =	vlt.s32 v61, s29;
	v10 =	vor.u32 v12, v10  }
0xb6: {  	vm0 =	vmand vm14, vm15;
	v10 =	vor.u32 v9, v10  }
0xb7: {  	v10 =	vsel vm0, v10, v1  }
0xb8: {  	v62 =	vand.u32 $0xFFFFFC00, v10  }
0xb9: {  	v63 =	vand.u32 $0x3FF, v10;
	v11 =	vadd.s32 v11, v62  }
0xba: {  	v11 =	vor.u32 v63, v11  }
0xbb: {  	s23 =	sadd.s32 $0x200, s23  }
0xbc: {  	s31 =	smul.u32 $0x1A000, s25;
	p0 =	sne.s32 s23, $0x10400  }
.Ltmp0:
0xbd: {  	_ = 	snop;
	(pc) =	sbr.rel @p0 .LBB2_2-.Ltmp0, $4  }
0xbe: {  	s26 =	sshrl.u32 s31, $0x2;
	[tilespmem:s30+$0x1070] =	vst v10  }
0xbf: {  	s25 =	sadd.s32 $0x1, s25;
	s26 =	sadd.s32 $0x1200, s26;
	[tilespmem:v11+s7+$0x0] =	vst.idx.msk $0xffff, v2  }
0xc0: {  	[hbm4b:s22+s14] =	stream.strided.scatter [tilespmem:s26], [sflag:s25], $0x6400, s15, s14, $0x38;
	[tilespmem:$0x1B200] =	vst v63  }
0xc1: {  	s24 =	sadd.s32 $0x1, s24;
	s21 =	sadd.s32 $0x19, s21;
	s22 =	sadd.s32 $0x19000, s22  }
0xc2: {  	_ =	swait.ge [sflag:s16], $0x6400  }
0xc3: {  	[sflag:s16] =	ssyncset.done $0x0  }
0xc4: {  	[sflag:s16] =	ssyncadd.s32 $0xFFFF9C00  }
0xc5: {  	_ =	swait.ge [sflag:s17], $0x6400  }
0xc6: {  	[sflag:s17] =	ssyncset.done $0x0  }
0xc7: {  	s20 =	sadd.s32 $0x1, s20;
	[sflag:s17] =	ssyncadd.s32 $0xFFFF9C00  }
0xc8: {  	p0 =	sne.s32 s20, s5;
	_ =	swait.ge [sflag:s18], $0x6400  }
.Ltmp1:
0xc9: {  	[sflag:s18] =	ssyncset.done $0x0;
	(pc) =	sbr.rel @p0 .LBB2_1-.Ltmp1, $4  }
0xca: {  	[sflag:s18] =	ssyncadd.s32 $0xFFFF9C00  }
0xcb: {  	_ =	swait.ge [sflag:s19], $0x6400  }
0xcc: {  	[sflag:s19] =	ssyncset.done $0x0  }
0xcd: {  	[sflag:s19] =	ssyncadd.s32 $0xFFFF9C00  }
0xce: {  	_ =	sfence.sel $0x180000  }
0xcf: {  	[bflag:$0x0] =	sbarrier.arrive $0xFFFF  }
0xd0: {  	p0 =	sne.s32 s1, $0x0;
	_ =	strace $0x90000047  }
0xd1: {  	s0 =	sadd.s32 @!p0 $0x100000, s0;
	[bflag:$0x2] =	sbarrier.arrive $0xFFFF  }
0xd2: {  	[sflag:s0] =	ssyncadd.tile.s32 @!p0 $0x1;
	_ =	shalt  }
.Lfunc_end2:
_tile_overlayer_lowered:
.L_overlay_start_2:
0xd3: {  	(tag) =	ssettag $0x2  }
0xd4: {  	s0 =	rddreg [dreg:$0x0];
	s2 =	stileid.u32  }
0xd5: {  	s1 =	rddreg [dreg:$0x1];
	p0 =	sne.s32 s2, $0x0  }
0xd6: {  	s3 =	rddreg [dreg:$0x2];
	[bflag:$0x3] =	sbarrier.arrive $0xFFFF;
	s2 =	simm.s32 @!p0 $0x1C05  }
0xd7: {  	[timem:s3], [sflag:s2] =	dma.local @!p0 [hbm:s0], s1  }
0xd8: {  	s0 =	simm.s32 @!p0 $0x5  }
0xd9: {  	_ =	swait.ge @!p0 [sflag:s0], s1  }
0xda: {  	s1 =	ssub.s32 @!p0 $0x0, s1;
	[sflag:s0] =	ssyncset.done @!p0 $0x0  }
0xdb: {  	[sflag:s0] =	ssyncadd.s32 @!p0 s1  }
0xdc: {  	[bflag:$0x3] =	sbarrier.arrive $0xFFFF  }
0xdd: {  	_ =	shalt  }

</sc_bundles>
